<compile_context>
chip_gen: v7x
topology: tpu7x:2x2x1
jax: 0.10.2.dev20260603
libtpu: 0.0.44.dev20260713+nightly
codegen_flags: <defaults>
</compile_context>

<pallas_src>
import functools

import jax
import jax.numpy as jnp
from jax import lax
from jax.experimental import pallas as pl
from jax.experimental.pallas import tpu as pltpu
from jax.experimental.pallas import tpu_sc as plsc

N = 10000
C = 128
E = 320000
NC, NS = 2, 16
NW = NC * NS
K = 128
CH = 80
EPW = CH * K
EP = NW * EPW
ACC_R = 10240
DUMMY = N
HL = 10240
RPT = ACC_R // NS
HC = C // 2
HW = 32
ECH = 162
EPT = ECH * K
EP16 = NS * EPT

def _make_sc_kernels():
    mesh = plsc.VectorSubcoreMesh(
        core_axis_name="c", subcore_axis_name="s",
        num_cores=NC, num_subcores=NS)
    sc_hist = functools.partial(
        pl.kernel,
        out_type=jax.ShapeDtypeStruct((NC, ACC_R, HW), jnp.float32),
        mesh=mesh,
        scratch_types=[
            pltpu.VMEM((CH, K), jnp.int32),
            pltpu.VMEM((K, HW), jnp.float32),
            pltpu.VMEM((K, HW), jnp.float32),
            pltpu.VMEM_SHARED((ACC_R, HW), jnp.float32),
        ],
        compiler_params=pltpu.CompilerParams(use_tc_tiling_on_sc=False),
    )(_sc_hist_body)
    sc_scatter = functools.partial(
        pl.kernel,
        out_type=jax.ShapeDtypeStruct((NC, ACC_R, HC), jnp.float32),
        mesh=mesh,
        scratch_types=[
            pltpu.VMEM((ECH, K), jnp.int32),
            pltpu.VMEM((ECH, K), jnp.int32),
            pltpu.VMEM((K, HC), jnp.float32),
            pltpu.VMEM((K, HC), jnp.float32),
            pltpu.VMEM((K, HC), jnp.float32),
            pltpu.SemaphoreType.DMA,
            pltpu.SemaphoreType.DMA,
            pltpu.SemaphoreType.DMA,
            pltpu.VMEM_SHARED((ACC_R, HC), jnp.float32),
        ],
        compiler_params=pltpu.CompilerParams(use_tc_tiling_on_sc=False),
    )(_sc_scatter_body)
    return sc_hist, sc_scatter


def _sc_hist_body(col_hbm, hist_hbm, col_v, ones_v, zbuf, shared):
    cid = lax.axis_index("c")
    sid = lax.axis_index("s")
    wid = sid * NC + cid
    pltpu.sync_copy(col_hbm.at[wid], col_v)
    zero16 = jnp.zeros((16,), jnp.float32)
    ones16 = jnp.ones((16,), jnp.float32)

    @pl.loop(0, K * HW // 16)
    def _init(i):
        r = i // (HW // 16)
        s = pl.ds((i % (HW // 16)) * 16, 16)
        ones_v[r, s] = ones16
        zbuf[r, s] = zero16

    base = sid * RPT
    for r in range(RPT // K):
        pltpu.sync_copy(zbuf, shared.at[pl.ds(base + r * K, K)])
    plsc.subcore_barrier()

    @pl.loop(0, CH)
    def _acc(j):
        pltpu.sync_copy(ones_v, shared.at[col_v.at[j]], add=True)

    plsc.subcore_barrier()
    pltpu.sync_copy(shared.at[pl.ds(base, RPT)],
                    hist_hbm.at[cid, pl.ds(base, RPT)])


def _sc_scatter_body(h2_hbm, row_hbm, col_hbm, out_hbm,
                     row_v, col_v, b0, b1, b2, gs0, gs1, gs2, acc):
    bufs = (b0, b1, b2)
    sems = (gs0, gs1, gs2)
    cid = lax.axis_index("c")
    sid = lax.axis_index("s")
    pltpu.sync_copy(row_hbm.at[cid, sid], row_v)
    pltpu.sync_copy(col_hbm.at[sid], col_v)

    zero16 = jnp.zeros((16,), jnp.float32)

    @pl.loop(0, K * HC // 16)
    def _z(k):
        b0[k // (HC // 16), pl.ds((k % (HC // 16)) * 16, 16)] = zero16

    base = sid * RPT
    for r in range(RPT // K):
        pltpu.sync_copy(b0, acc.at[pl.ds(base + r * K, K)])
    plsc.subcore_barrier()

    pltpu.async_copy(h2_hbm.at[row_v.at[0]], b0, gs0)
    pltpu.async_copy(h2_hbm.at[row_v.at[1]], b1, gs1)

    @pl.loop(0, (ECH - 3) // 3)
    def _body(t):
        j = t * 3
        for d in range(3):
            jj = j + d
            pltpu.make_async_copy(h2_hbm.at[row_v.at[jj]],
                                  bufs[d], sems[d]).wait()
            pltpu.async_copy(h2_hbm.at[row_v.at[jj + 2]],
                             bufs[(d + 2) % 3], sems[(d + 2) % 3])
            pltpu.sync_copy(bufs[d], acc.at[col_v.at[jj]], add=True)

    pltpu.async_copy(h2_hbm.at[row_v.at[ECH - 1]], b2, gs2)
    for d, (bb, ss) in enumerate(((b0, gs0), (b1, gs1), (b2, gs2))):
        jj = ECH - 3 + d
        pltpu.make_async_copy(h2_hbm.at[row_v.at[jj]], bb, ss).wait()
        pltpu.sync_copy(bb, acc.at[col_v.at[jj]], add=True)

    plsc.subcore_barrier()
    pltpu.sync_copy(acc.at[pl.ds(base, RPT)],
                    out_hbm.at[cid, pl.ds(base, RPT)])


def _tc_h2_body(x_ref, w_ref, hist_ref, h2_ref):
    deg = hist_ref[0] + hist_ref[1] + 1.0
    dis = lax.rsqrt(deg)
    h = jnp.dot(x_ref[...], w_ref[...], preferred_element_type=jnp.float32)
    h2_ref[...] = h * dis


def _tc_fin_body(acc_ref, h2_ref, hist_ref, b_ref, out_ref):
    deg = hist_ref[0] + hist_ref[1] + 1.0
    dis = lax.rsqrt(deg)
    agg = jnp.concatenate([acc_ref[0, :N], acc_ref[1, :N]], axis=1)
    s = (agg + h2_ref[...]) * dis + b_ref[...]
    out_ref[...] = jnp.maximum(s, 0.0)


def kernel(x, edge_index, W, b):
    ei = edge_index.astype(jnp.int32)
    row, col = ei[0], ei[1]
    pad = EP - E
    col3 = jnp.concatenate(
        [col, jnp.full((pad,), DUMMY, jnp.int32)]).reshape(NW, CH, K)
    pad16 = EP16 - E
    pad_i = jnp.arange(pad16, dtype=jnp.int32)
    row_p = jnp.concatenate([row, pad_i % N])
    col_p = jnp.concatenate([col, DUMMY + pad_i % (ACC_R - N)])
    rowx = jnp.stack([2 * row_p, 2 * row_p + 1]).reshape(NC, NS, ECH, K)
    col16 = col_p.reshape(NS, ECH, K)

    sc_hist, sc_scatter = _make_sc_kernels()
    hist = sc_hist(col3)
    hist_n = hist[:, :N, :1]

    h2 = pl.pallas_call(
        _tc_h2_body,
        out_shape=jax.ShapeDtypeStruct((N, C), jnp.float32),
    )(x, W, hist_n)
    h2v = h2.reshape(2 * N, HC)

    accs = sc_scatter(h2v, rowx, col16)

    out = pl.pallas_call(
        _tc_fin_body,
        out_shape=jax.ShapeDtypeStruct((N, C), jnp.float32),
    )(accs, h2, hist_n, b)
    return out

# --- scband reference (transcript-rebuilt; emitter-appended) ---
"""Pipeline reference for scband-improved-gcn-54451595379030 (READ-ONLY COPY).

The authoritative reference and input builder live on the scoring server;
editing this copy changes nothing except your own understanding.
"""

import jax, jax.numpy as jnp
import numpy as np

N_NODES = 10000
N_EDGES = 320000
IN_CH = 128
HID_CH = 128


def setup_inputs(seed: int = 0) -> dict:
    key = jax.random.key(seed)
    k1, k2, k3, k4 = jax.random.split(key, 4)
    x = jax.random.normal(k1, (N_NODES, IN_CH), dtype=jnp.float32)
    edge_index = jax.random.randint(k2, (2, N_EDGES), 0, N_NODES, dtype=jnp.int64)
    # GCNConv linear weight (glorot) and bias (zeros-init in PyG; use small random for generality)
    limit = float(np.sqrt(6.0 / (IN_CH + HID_CH)))
    W = jax.random.uniform(k3, (IN_CH, HID_CH), dtype=jnp.float32, minval=-limit, maxval=limit)
    b = jnp.zeros((HID_CH,), dtype=jnp.float32)
    return {"x": x, "edge_index": edge_index, "W": W, "b": b}


def reference(x, edge_index, W, b):
    N = x.shape[0]
    # add self loops (GCNConv add_self_loops=True)
    loop = jnp.arange(N, dtype=edge_index.dtype)
    ei = jnp.concatenate([edge_index, jnp.stack([loop, loop], axis=0)], axis=1)
    row, col = ei[0], ei[1]
    # symmetric normalization: deg computed on destination (col)
    deg = jnp.zeros((N,), dtype=jnp.float32).at[col].add(1.0)
    deg_inv_sqrt = jnp.where(deg > 0, deg ** -0.5, 0.0)
    norm = deg_inv_sqrt[row] * deg_inv_sqrt[col]
    # linear transform
    h = x @ W
    # message = norm * h[src]; aggregate via scatter-add at dst
    msgs = h[row] * norm[:, None]
    out = jnp.zeros((N, W.shape[1]), dtype=jnp.float32).at[col].add(msgs)
    out = out + b
    return jax.nn.relu(out)

if __name__ == "__main__":
    import jax
    _d = setup_inputs()
    print(jax.jit(kernel)(*tuple(_d.values())))

</pallas_src>

<mosaic_0001>
#map = affine_map<(d0, d1) -> (0, 0, 0)>
module attributes {stable_mosaic.version = 14 : i64} {
  func.func @_sc_hist_body(%arg0: i32, %arg1: i32, %arg2: memref<32x80x128xi32, #tpu.memory_space<hbm>>, %arg3: memref<2x10240x32xf32, #tpu.memory_space<hbm>>, %arg4: memref<80x128xi32, #tpu.memory_space<vmem>>, %arg5: memref<128x32xf32, #tpu.memory_space<vmem>>, %arg6: memref<128x32xf32, #tpu.memory_space<vmem>>, %arg7: memref<10240x32xf32, #tpu.memory_space<vmem_shared>>) attributes {dimension_semantics = [#tpu.dimension_semantics<core_parallel>, #tpu.dimension_semantics<subcore_parallel>], iteration_bounds = array<i64: 2, 16>, scalar_prefetch = 0 : i64, scratch_operands = 4 : i64, tpu.core_type = #tpu.core_type<sc_vector_subcore>, window_params = [{transform_indices = #map}, {transform_indices = #map}]} {
    %mul3A = arith.constant 2 : i32
    %mul3A_0 = arith.muli %arg1, %mul3A : i32
    %add3A = arith.addi %mul3A_0, %arg0 : i32
    "tpu.region"() ({
      %run_scoped3A = tpu.sem_alloc : memref<!tpu.dma_semaphore, #tpu.memory_space<semaphore_mem>>
      %dma_start3A = arith.constant 0 : i32
      %dma_start3A_26 = arith.constant 0 : i32
      %dma_start3A_27 = tpu.memref_slice %arg2[%add3A, %dma_start3A, %dma_start3A_26] : memref<32x80x128xi32, #tpu.memory_space<hbm>> -> memref<1x80x128xi32, #tpu.memory_space<hbm>>
      %dma_start3A_28 = tpu.memref_squeeze %dma_start3A_27 : memref<1x80x128xi32, #tpu.memory_space<hbm>> -> memref<80x128xi32, #tpu.memory_space<hbm>>
      %dma_start3A_29 = arith.constant 0 : i32
      %dma_start3A_30 = arith.constant 0 : i32
      %dma_start3A_31 = tpu.memref_slice %arg2[%add3A, %dma_start3A_29, %dma_start3A_30] : memref<32x80x128xi32, #tpu.memory_space<hbm>> -> memref<1x80x128xi32, #tpu.memory_space<hbm>>
      %dma_start3A_32 = tpu.memref_squeeze %dma_start3A_31 : memref<1x80x128xi32, #tpu.memory_space<hbm>> -> memref<80x128xi32, #tpu.memory_space<hbm>>
      tpu.enqueue_dma source(%dma_start3A_32 : memref<80x128xi32, #tpu.memory_space<hbm>>) target(%arg4 : memref<80x128xi32, #tpu.memory_space<vmem>>) target_semaphore(%run_scoped3A : memref<!tpu.dma_semaphore, #tpu.memory_space<semaphore_mem>>)
      %dma_wait3A = arith.constant 0 : i32
      %dma_wait3A_33 = arith.constant 0 : i32
      %dma_wait3A_34 = tpu.memref_slice %arg2[%add3A, %dma_wait3A, %dma_wait3A_33] : memref<32x80x128xi32, #tpu.memory_space<hbm>> -> memref<1x80x128xi32, #tpu.memory_space<hbm>>
      %dma_wait3A_35 = tpu.memref_squeeze %dma_wait3A_34 : memref<1x80x128xi32, #tpu.memory_space<hbm>> -> memref<80x128xi32, #tpu.memory_space<hbm>>
      %dma_wait3A_36 = arith.constant 0 : i32
      %dma_wait3A_37 = arith.constant 0 : i32
      %dma_wait3A_38 = tpu.memref_slice %arg2[%add3A, %dma_wait3A_36, %dma_wait3A_37] : memref<32x80x128xi32, #tpu.memory_space<hbm>> -> memref<1x80x128xi32, #tpu.memory_space<hbm>>
      %dma_wait3A_39 = tpu.memref_squeeze %dma_wait3A_38 : memref<1x80x128xi32, #tpu.memory_space<hbm>> -> memref<80x128xi32, #tpu.memory_space<hbm>>
      tpu.wait_dma2 semaphore(%run_scoped3A : memref<!tpu.dma_semaphore, #tpu.memory_space<semaphore_mem>>) src(%dma_wait3A_39 : memref<80x128xi32, #tpu.memory_space<hbm>>) dst(%arg4 : memref<80x128xi32, #tpu.memory_space<vmem>>)
      tpu.yield
    }) : () -> ()
    %broadcast_in_dim3A = arith.constant 0.000000e+00 : f32
    %broadcast_in_dim3A_1 = vector.broadcast %broadcast_in_dim3A : f32 to vector<16xf32>
    %broadcast_in_dim3A_2 = arith.constant 1.000000e+00 : f32
    %broadcast_in_dim3A_3 = vector.broadcast %broadcast_in_dim3A_2 : f32 to vector<16xf32>
    %scan3A = arith.constant 0 : i32
    %scan3A_4 = arith.constant 256 : i32
    %scan3A_5 = arith.addi %scan3A, %scan3A_4 : i32
    %scan3A_6 = arith.constant 1 : i32
    scf.for %scan3A_26 = %scan3A to %scan3A_5 step %scan3A_6  : i32 {
      %mul3A_27 = arith.constant 1 : i32
      %mul3A_28 = arith.muli %scan3A_26, %mul3A_27 : i32
      %add3A_29 = arith.constant 0 : i32
      %add3A_30 = arith.addi %add3A_29, %mul3A_28 : i32
      %jit3A = arith.constant 2 : i32
      %div3A = arith.divsi %add3A_30, %jit3A : i32
      %sign3A = arith.constant 0 : i32
      %sign3A_31 = arith.cmpi sgt, %add3A_30, %sign3A : i32
      %sign3A_32 = arith.extui %sign3A_31 : i1 to i32
      %sign3A_33 = arith.constant 0 : i32
      %sign3A_34 = arith.cmpi slt, %add3A_30, %sign3A_33 : i32
      %sign3A_35 = arith.extui %sign3A_34 : i1 to i32
      %sign3A_36 = arith.subi %sign3A_32, %sign3A_35 : i32
      %sign3A_37 = arith.constant 0 : i32
      %sign3A_38 = arith.cmpi sgt, %jit3A, %sign3A_37 : i32
      %sign3A_39 = arith.extui %sign3A_38 : i1 to i32
      %sign3A_40 = arith.constant 0 : i32
      %sign3A_41 = arith.cmpi slt, %jit3A, %sign3A_40 : i32
      %sign3A_42 = arith.extui %sign3A_41 : i1 to i32
      %sign3A_43 = arith.subi %sign3A_39, %sign3A_42 : i32
      %ne3A = arith.cmpi ne, %sign3A_36, %sign3A_43 : i32
      %rem3A = arith.remsi %add3A_30, %jit3A : i32
      %ne3A_44 = arith.constant 0 : i32
      %ne3A_45 = arith.cmpi ne, %rem3A, %ne3A_44 : i32
      %and3A = arith.andi %ne3A, %ne3A_45 : i1
      %sub3A = arith.constant 1 : i32
      %sub3A_46 = arith.subi %div3A, %sub3A : i32
      %select_n3A = arith.select %and3A, %sub3A_46, %div3A : i32
      %jit3A_47 = arith.constant 2 : i32
      %eq3A = arith.constant 0 : i32
      %eq3A_48 = arith.cmpi eq, %jit3A_47, %eq3A : i32
      %jit3A_49 = arith.constant 1 : i32
      %select_n3A_50 = arith.select %eq3A_48, %jit3A_49, %jit3A_47 : i32
      %rem3A_51 = arith.remsi %add3A_30, %select_n3A_50 : i32
      %ne3A_52 = arith.constant 0 : i32
      %ne3A_53 = arith.cmpi ne, %rem3A_51, %ne3A_52 : i32
      %lt3A = arith.constant 0 : i32
      %lt3A_54 = arith.cmpi slt, %rem3A_51, %lt3A : i32
      %lt3A_55 = arith.constant 0 : i32
      %lt3A_56 = arith.cmpi slt, %select_n3A_50, %lt3A_55 : i32
      %ne3A_57 = arith.xori %lt3A_54, %lt3A_56 : i1
      %and3A_58 = arith.andi %ne3A_57, %ne3A_53 : i1
      %add3A_59 = arith.addi %rem3A_51, %select_n3A_50 : i32
      %select_n3A_60 = arith.select %and3A_58, %add3A_59, %rem3A_51 : i32
      %mul3A_61 = arith.constant 16 : i32
      %mul3A_62 = arith.muli %select_n3A_60, %mul3A_61 : i32
      %swap3A = arith.index_cast %select_n3A : i32 to index
      %swap3A_63 = arith.index_cast %mul3A_62 : i32 to index
      %swap3A_64 = tpu.vector_load %arg5[%swap3A, %swap3A_63] {strides = array<i32>} : memref<128x32xf32, #tpu.memory_space<vmem>>, vector<1x16xf32>,
      %swap3A_65 = vector.shape_cast %swap3A_64 : vector<1x16xf32> to vector<16xf32>
      %swap3A_66 = vector.shape_cast %broadcast_in_dim3A_3 : vector<16xf32> to vector<1x16xf32>
      tpu.vector_store %arg5[%swap3A, %swap3A_63], %swap3A_66 {strides = array<i32>} : memref<128x32xf32, #tpu.memory_space<vmem>>, vector<1x16xf32>,
      %swap3A_67 = arith.index_cast %select_n3A : i32 to index
      %swap3A_68 = arith.index_cast %mul3A_62 : i32 to index
      %swap3A_69 = tpu.vector_load %arg6[%swap3A_67, %swap3A_68] {strides = array<i32>} : memref<128x32xf32, #tpu.memory_space<vmem>>, vector<1x16xf32>,
      %swap3A_70 = vector.shape_cast %swap3A_69 : vector<1x16xf32> to vector<16xf32>
      %swap3A_71 = vector.shape_cast %broadcast_in_dim3A_1 : vector<16xf32> to vector<1x16xf32>
      tpu.vector_store %arg6[%swap3A_67, %swap3A_68], %swap3A_71 {strides = array<i32>} : memref<128x32xf32, #tpu.memory_space<vmem>>, vector<1x16xf32>,
    }
    %scan3A_7 = arith.constant 256 : i32
    %mul3A_8 = arith.constant 640 : i32
    %mul3A_9 = arith.muli %arg1, %mul3A_8 : i32
    %add3A_10 = arith.constant 0 : i32
    %add3A_11 = arith.addi %mul3A_9, %add3A_10 : i32
    "tpu.region"() ({
      %run_scoped3A = tpu.sem_alloc : memref<!tpu.dma_semaphore, #tpu.memory_space<semaphore_mem>>
      %dma_start3A = arith.constant 0 : i32
      %dma_start3A_26 = tpu.memref_slice %arg7[%add3A_11, %dma_start3A] : memref<10240x32xf32, #tpu.memory_space<vmem_shared>> -> memref<128x32xf32, #tpu.memory_space<vmem_shared>>
      %dma_start3A_27 = arith.constant 0 : i32
      %dma_start3A_28 = tpu.memref_slice %arg7[%add3A_11, %dma_start3A_27] : memref<10240x32xf32, #tpu.memory_space<vmem_shared>> -> memref<128x32xf32, #tpu.memory_space<vmem_shared>>
      tpu.enqueue_dma source(%arg6 : memref<128x32xf32, #tpu.memory_space<vmem>>) target(%dma_start3A_28 : memref<128x32xf32, #tpu.memory_space<vmem_shared>>) target_semaphore(%run_scoped3A : memref<!tpu.dma_semaphore, #tpu.memory_space<semaphore_mem>>)
      %dma_wait3A = arith.constant 0 : i32
      %dma_wait3A_29 = tpu.memref_slice %arg7[%add3A_11, %dma_wait3A] : memref<10240x32xf32, #tpu.memory_space<vmem_shared>> -> memref<128x32xf32, #tpu.memory_space<vmem_shared>>
      %dma_wait3A_30 = arith.constant 0 : i32
      %dma_wait3A_31 = tpu.memref_slice %arg7[%add3A_11, %dma_wait3A_30] : memref<10240x32xf32, #tpu.memory_space<vmem_shared>> -> memref<128x32xf32, #tpu.memory_space<vmem_shared>>
      tpu.wait_dma2 semaphore(%run_scoped3A : memref<!tpu.dma_semaphore, #tpu.memory_space<semaphore_mem>>) src(%arg6 : memref<128x32xf32, #tpu.memory_space<vmem>>) dst(%dma_wait3A_31 : memref<128x32xf32, #tpu.memory_space<vmem_shared>>)
      tpu.yield
    }) : () -> ()
    %add3A_12 = arith.constant 128 : i32
    %add3A_13 = arith.addi %mul3A_9, %add3A_12 : i32
    "tpu.region"() ({
      %run_scoped3A = tpu.sem_alloc : memref<!tpu.dma_semaphore, #tpu.memory_space<semaphore_mem>>
      %dma_start3A = arith.constant 0 : i32
      %dma_start3A_26 = tpu.memref_slice %arg7[%add3A_13, %dma_start3A] : memref<10240x32xf32, #tpu.memory_space<vmem_shared>> -> memref<128x32xf32, #tpu.memory_space<vmem_shared>>
      %dma_start3A_27 = arith.constant 0 : i32
      %dma_start3A_28 = tpu.memref_slice %arg7[%add3A_13, %dma_start3A_27] : memref<10240x32xf32, #tpu.memory_space<vmem_shared>> -> memref<128x32xf32, #tpu.memory_space<vmem_shared>>
      tpu.enqueue_dma source(%arg6 : memref<128x32xf32, #tpu.memory_space<vmem>>) target(%dma_start3A_28 : memref<128x32xf32, #tpu.memory_space<vmem_shared>>) target_semaphore(%run_scoped3A : memref<!tpu.dma_semaphore, #tpu.memory_space<semaphore_mem>>)
      %dma_wait3A = arith.constant 0 : i32
      %dma_wait3A_29 = tpu.memref_slice %arg7[%add3A_13, %dma_wait3A] : memref<10240x32xf32, #tpu.memory_space<vmem_shared>> -> memref<128x32xf32, #tpu.memory_space<vmem_shared>>
      %dma_wait3A_30 = arith.constant 0 : i32
      %dma_wait3A_31 = tpu.memref_slice %arg7[%add3A_13, %dma_wait3A_30] : memref<10240x32xf32, #tpu.memory_space<vmem_shared>> -> memref<128x32xf32, #tpu.memory_space<vmem_shared>>
      tpu.wait_dma2 semaphore(%run_scoped3A : memref<!tpu.dma_semaphore, #tpu.memory_space<semaphore_mem>>) src(%arg6 : memref<128x32xf32, #tpu.memory_space<vmem>>) dst(%dma_wait3A_31 : memref<128x32xf32, #tpu.memory_space<vmem_shared>>)
      tpu.yield
    }) : () -> ()
    %add3A_14 = arith.constant 256 : i32
    %add3A_15 = arith.addi %mul3A_9, %add3A_14 : i32
    "tpu.region"() ({
      %run_scoped3A = tpu.sem_alloc : memref<!tpu.dma_semaphore, #tpu.memory_space<semaphore_mem>>
      %dma_start3A = arith.constant 0 : i32
      %dma_start3A_26 = tpu.memref_slice %arg7[%add3A_15, %dma_start3A] : memref<10240x32xf32, #tpu.memory_space<vmem_shared>> -> memref<128x32xf32, #tpu.memory_space<vmem_shared>>
      %dma_start3A_27 = arith.constant 0 : i32
      %dma_start3A_28 = tpu.memref_slice %arg7[%add3A_15, %dma_start3A_27] : memref<10240x32xf32, #tpu.memory_space<vmem_shared>> -> memref<128x32xf32, #tpu.memory_space<vmem_shared>>
      tpu.enqueue_dma source(%arg6 : memref<128x32xf32, #tpu.memory_space<vmem>>) target(%dma_start3A_28 : memref<128x32xf32, #tpu.memory_space<vmem_shared>>) target_semaphore(%run_scoped3A : memref<!tpu.dma_semaphore, #tpu.memory_space<semaphore_mem>>)
      %dma_wait3A = arith.constant 0 : i32
      %dma_wait3A_29 = tpu.memref_slice %arg7[%add3A_15, %dma_wait3A] : memref<10240x32xf32, #tpu.memory_space<vmem_shared>> -> memref<128x32xf32, #tpu.memory_space<vmem_shared>>
      %dma_wait3A_30 = arith.constant 0 : i32
      %dma_wait3A_31 = tpu.memref_slice %arg7[%add3A_15, %dma_wait3A_30] : memref<10240x32xf32, #tpu.memory_space<vmem_shared>> -> memref<128x32xf32, #tpu.memory_space<vmem_shared>>
      tpu.wait_dma2 semaphore(%run_scoped3A : memref<!tpu.dma_semaphore, #tpu.memory_space<semaphore_mem>>) src(%arg6 : memref<128x32xf32, #tpu.memory_space<vmem>>) dst(%dma_wait3A_31 : memref<128x32xf32, #tpu.memory_space<vmem_shared>>)
      tpu.yield
    }) : () -> ()
    %add3A_16 = arith.constant 384 : i32
    %add3A_17 = arith.addi %mul3A_9, %add3A_16 : i32
    "tpu.region"() ({
      %run_scoped3A = tpu.sem_alloc : memref<!tpu.dma_semaphore, #tpu.memory_space<semaphore_mem>>
      %dma_start3A = arith.constant 0 : i32
      %dma_start3A_26 = tpu.memref_slice %arg7[%add3A_17, %dma_start3A] : memref<10240x32xf32, #tpu.memory_space<vmem_shared>> -> memref<128x32xf32, #tpu.memory_space<vmem_shared>>
      %dma_start3A_27 = arith.constant 0 : i32
      %dma_start3A_28 = tpu.memref_slice %arg7[%add3A_17, %dma_start3A_27] : memref<10240x32xf32, #tpu.memory_space<vmem_shared>> -> memref<128x32xf32, #tpu.memory_space<vmem_shared>>
      tpu.enqueue_dma source(%arg6 : memref<128x32xf32, #tpu.memory_space<vmem>>) target(%dma_start3A_28 : memref<128x32xf32, #tpu.memory_space<vmem_shared>>) target_semaphore(%run_scoped3A : memref<!tpu.dma_semaphore, #tpu.memory_space<semaphore_mem>>)
      %dma_wait3A = arith.constant 0 : i32
      %dma_wait3A_29 = tpu.memref_slice %arg7[%add3A_17, %dma_wait3A] : memref<10240x32xf32, #tpu.memory_space<vmem_shared>> -> memref<128x32xf32, #tpu.memory_space<vmem_shared>>
      %dma_wait3A_30 = arith.constant 0 : i32
      %dma_wait3A_31 = tpu.memref_slice %arg7[%add3A_17, %dma_wait3A_30] : memref<10240x32xf32, #tpu.memory_space<vmem_shared>> -> memref<128x32xf32, #tpu.memory_space<vmem_shared>>
      tpu.wait_dma2 semaphore(%run_scoped3A : memref<!tpu.dma_semaphore, #tpu.memory_space<semaphore_mem>>) src(%arg6 : memref<128x32xf32, #tpu.memory_space<vmem>>) dst(%dma_wait3A_31 : memref<128x32xf32, #tpu.memory_space<vmem_shared>>)
      tpu.yield
    }) : () -> ()
    %add3A_18 = arith.constant 512 : i32
    %add3A_19 = arith.addi %mul3A_9, %add3A_18 : i32
    "tpu.region"() ({
      %run_scoped3A = tpu.sem_alloc : memref<!tpu.dma_semaphore, #tpu.memory_space<semaphore_mem>>
      %dma_start3A = arith.constant 0 : i32
      %dma_start3A_26 = tpu.memref_slice %arg7[%add3A_19, %dma_start3A] : memref<10240x32xf32, #tpu.memory_space<vmem_shared>> -> memref<128x32xf32, #tpu.memory_space<vmem_shared>>
      %dma_start3A_27 = arith.constant 0 : i32
      %dma_start3A_28 = tpu.memref_slice %arg7[%add3A_19, %dma_start3A_27] : memref<10240x32xf32, #tpu.memory_space<vmem_shared>> -> memref<128x32xf32, #tpu.memory_space<vmem_shared>>
      tpu.enqueue_dma source(%arg6 : memref<128x32xf32, #tpu.memory_space<vmem>>) target(%dma_start3A_28 : memref<128x32xf32, #tpu.memory_space<vmem_shared>>) target_semaphore(%run_scoped3A : memref<!tpu.dma_semaphore, #tpu.memory_space<semaphore_mem>>)
      %dma_wait3A = arith.constant 0 : i32
      %dma_wait3A_29 = tpu.memref_slice %arg7[%add3A_19, %dma_wait3A] : memref<10240x32xf32, #tpu.memory_space<vmem_shared>> -> memref<128x32xf32, #tpu.memory_space<vmem_shared>>
      %dma_wait3A_30 = arith.constant 0 : i32
      %dma_wait3A_31 = tpu.memref_slice %arg7[%add3A_19, %dma_wait3A_30] : memref<10240x32xf32, #tpu.memory_space<vmem_shared>> -> memref<128x32xf32, #tpu.memory_space<vmem_shared>>
      tpu.wait_dma2 semaphore(%run_scoped3A : memref<!tpu.dma_semaphore, #tpu.memory_space<semaphore_mem>>) src(%arg6 : memref<128x32xf32, #tpu.memory_space<vmem>>) dst(%dma_wait3A_31 : memref<128x32xf32, #tpu.memory_space<vmem_shared>>)
      tpu.yield
    }) : () -> ()
    %barrier3A = arith.constant 0 : index
    tpu.barrier barrier_id(%barrier3A)
    %scan3A_20 = arith.constant 0 : i32
    %scan3A_21 = arith.constant 80 : i32
    %scan3A_22 = arith.addi %scan3A_20, %scan3A_21 : i32
    %scan3A_23 = arith.constant 1 : i32
    scf.for %scan3A_26 = %scan3A_20 to %scan3A_22 step %scan3A_23  : i32 {
      %mul3A_27 = arith.constant 1 : i32
      %mul3A_28 = arith.muli %scan3A_26, %mul3A_27 : i32
      %add3A_29 = arith.constant 0 : i32
      %add3A_30 = arith.addi %add3A_29, %mul3A_28 : i32
      "tpu.region"() ({
        %run_scoped3A = tpu.sem_alloc : memref<!tpu.dma_semaphore, #tpu.memory_space<semaphore_mem>>
        %dma_start3A = arith.constant 0 : i32
        %dma_start3A_31 = tpu.memref_slice %arg4[%add3A_30, %dma_start3A] : memref<80x128xi32, #tpu.memory_space<vmem>> -> memref<1x128xi32, #tpu.memory_space<vmem>>
        %dma_start3A_32 = tpu.memref_squeeze %dma_start3A_31 : memref<1x128xi32, #tpu.memory_space<vmem>> -> memref<128xi32, #tpu.memory_space<vmem>>
        %dma_start3A_33 = arith.constant 0 : i32
        %dma_start3A_34 = arith.constant 0 : i32
        %dma_start3A_35 = tpu.memref_slice %arg7[%dma_start3A_33, %dma_start3A_34] : memref<10240x32xf32, #tpu.memory_space<vmem_shared>> -> memref<10240x32xf32, #tpu.memory_space<vmem_shared>>
        tpu.enqueue_indirect_dma source(%arg5 : memref<128x32xf32, #tpu.memory_space<vmem>>) target(%dma_start3A_35 : memref<10240x32xf32, #tpu.memory_space<vmem_shared>>) offsets(%dma_start3A_32 : memref<128xi32, #tpu.memory_space<vmem>>) semaphore(%run_scoped3A : memref<!tpu.dma_semaphore, #tpu.memory_space<semaphore_mem>>) {add = true}
        %dma_wait3A = arith.constant 0 : i32
        %dma_wait3A_36 = tpu.memref_slice %arg4[%add3A_30, %dma_wait3A] : memref<80x128xi32, #tpu.memory_space<vmem>> -> memref<1x128xi32, #tpu.memory_space<vmem>>
        %dma_wait3A_37 = tpu.memref_squeeze %dma_wait3A_36 : memref<1x128xi32, #tpu.memory_space<vmem>> -> memref<128xi32, #tpu.memory_space<vmem>>
        %dma_wait3A_38 = arith.constant 0 : i32
        %dma_wait3A_39 = arith.constant 0 : i32
        %dma_wait3A_40 = tpu.memref_slice %arg7[%dma_wait3A_38, %dma_wait3A_39] : memref<10240x32xf32, #tpu.memory_space<vmem_shared>> -> memref<10240x32xf32, #tpu.memory_space<vmem_shared>>
        tpu.wait_indirect_dma semaphore(%run_scoped3A : memref<!tpu.dma_semaphore, #tpu.memory_space<semaphore_mem>>) src(%arg5 : memref<128x32xf32, #tpu.memory_space<vmem>>) dst(%dma_wait3A_40 : memref<10240x32xf32, #tpu.memory_space<vmem_shared>>)
        tpu.yield
      }) : () -> ()
    }
    %scan3A_24 = arith.constant 80 : i32
    %barrier3A_25 = arith.constant 0 : index
    tpu.barrier barrier_id(%barrier3A_25)
    "tpu.region"() ({
      %run_scoped3A = tpu.sem_alloc : memref<!tpu.dma_semaphore, #tpu.memory_space<semaphore_mem>>
      %dma_start3A = arith.constant 0 : i32
      %dma_start3A_26 = tpu.memref_slice %arg3[%arg0, %mul3A_9, %dma_start3A] : memref<2x10240x32xf32, #tpu.memory_space<hbm>> -> memref<1x640x32xf32, #tpu.memory_space<hbm>>
      %dma_start3A_27 = tpu.memref_squeeze %dma_start3A_26 : memref<1x640x32xf32, #tpu.memory_space<hbm>> -> memref<640x32xf32, #tpu.memory_space<hbm>>
      %dma_start3A_28 = arith.constant 0 : i32
      %dma_start3A_29 = tpu.memref_slice %arg7[%mul3A_9, %dma_start3A_28] : memref<10240x32xf32, #tpu.memory_space<vmem_shared>> -> memref<640x32xf32, #tpu.memory_space<vmem_shared>>
      tpu.enqueue_dma source(%dma_start3A_29 : memref<640x32xf32, #tpu.memory_space<vmem_shared>>) target(%dma_start3A_27 : memref<640x32xf32, #tpu.memory_space<hbm>>) target_semaphore(%run_scoped3A : memref<!tpu.dma_semaphore, #tpu.memory_space<semaphore_mem>>)
      %dma_wait3A = arith.constant 0 : i32
      %dma_wait3A_30 = tpu.memref_slice %arg3[%arg0, %mul3A_9, %dma_wait3A] : memref<2x10240x32xf32, #tpu.memory_space<hbm>> -> memref<1x640x32xf32, #tpu.memory_space<hbm>>
      %dma_wait3A_31 = tpu.memref_squeeze %dma_wait3A_30 : memref<1x640x32xf32, #tpu.memory_space<hbm>> -> memref<640x32xf32, #tpu.memory_space<hbm>>
      %dma_wait3A_32 = arith.constant 0 : i32
      %dma_wait3A_33 = tpu.memref_slice %arg7[%mul3A_9, %dma_wait3A_32] : memref<10240x32xf32, #tpu.memory_space<vmem_shared>> -> memref<640x32xf32, #tpu.memory_space<vmem_shared>>
      tpu.wait_dma2 semaphore(%run_scoped3A : memref<!tpu.dma_semaphore, #tpu.memory_space<semaphore_mem>>) src(%dma_wait3A_33 : memref<640x32xf32, #tpu.memory_space<vmem_shared>>) dst(%dma_wait3A_31 : memref<640x32xf32, #tpu.memory_space<hbm>>)
      tpu.yield
    }) : () -> ()
    return
  }
}

#map = affine_map<(d0, d1) -> (0, 0)>
#map1 = affine_map<(d0, d1) -> (0, 0, 0, 0)>
#map2 = affine_map<(d0, d1) -> (0, 0, 0)>
module attributes {stable_mosaic.version = 14 : i64} {
  func.func @_sc_scatter_body(%arg0: i32, %arg1: i32, %arg2: memref<20000x64xf32, #tpu.memory_space<hbm>>, %arg3: memref<2x16x162x128xi32, #tpu.memory_space<hbm>>, %arg4: memref<16x162x128xi32, #tpu.memory_space<hbm>>, %arg5: memref<2x10240x64xf32, #tpu.memory_space<hbm>>, %arg6: memref<162x128xi32, #tpu.memory_space<vmem>>, %arg7: memref<162x128xi32, #tpu.memory_space<vmem>>, %arg8: memref<128x64xf32, #tpu.memory_space<vmem>>, %arg9: memref<128x64xf32, #tpu.memory_space<vmem>>, %arg10: memref<128x64xf32, #tpu.memory_space<vmem>>, %arg11: memref<!tpu.dma_semaphore, #tpu.memory_space<semaphore_mem>>, %arg12: memref<!tpu.dma_semaphore, #tpu.memory_space<semaphore_mem>>, %arg13: memref<!tpu.dma_semaphore, #tpu.memory_space<semaphore_mem>>, %arg14: memref<10240x64xf32, #tpu.memory_space<vmem_shared>>) attributes {dimension_semantics = [#tpu.dimension_semantics<core_parallel>, #tpu.dimension_semantics<subcore_parallel>], iteration_bounds = array<i64: 2, 16>, scalar_prefetch = 0 : i64, scratch_operands = 9 : i64, tpu.core_type = #tpu.core_type<sc_vector_subcore>, window_params = [{transform_indices = #map}, {transform_indices = #map1}, {transform_indices = #map2}, {transform_indices = #map2}]} {
    "tpu.region"() ({
      %run_scoped3A_63 = tpu.sem_alloc : memref<!tpu.dma_semaphore, #tpu.memory_space<semaphore_mem>>
      %dma_start3A_64 = arith.constant 0 : i32
      %dma_start3A_65 = arith.constant 0 : i32
      %dma_start3A_66 = tpu.memref_slice %arg3[%arg0, %arg1, %dma_start3A_64, %dma_start3A_65] : memref<2x16x162x128xi32, #tpu.memory_space<hbm>> -> memref<1x1x162x128xi32, #tpu.memory_space<hbm>>
      %dma_start3A_67 = tpu.memref_squeeze %dma_start3A_66 : memref<1x1x162x128xi32, #tpu.memory_space<hbm>> -> memref<162x128xi32, #tpu.memory_space<hbm>>
      %dma_start3A_68 = arith.constant 0 : i32
      %dma_start3A_69 = arith.constant 0 : i32
      %dma_start3A_70 = tpu.memref_slice %arg3[%arg0, %arg1, %dma_start3A_68, %dma_start3A_69] : memref<2x16x162x128xi32, #tpu.memory_space<hbm>> -> memref<1x1x162x128xi32, #tpu.memory_space<hbm>>
      %dma_start3A_71 = tpu.memref_squeeze %dma_start3A_70 : memref<1x1x162x128xi32, #tpu.memory_space<hbm>> -> memref<162x128xi32, #tpu.memory_space<hbm>>
      tpu.enqueue_dma source(%dma_start3A_71 : memref<162x128xi32, #tpu.memory_space<hbm>>) target(%arg6 : memref<162x128xi32, #tpu.memory_space<vmem>>) target_semaphore(%run_scoped3A_63 : memref<!tpu.dma_semaphore, #tpu.memory_space<semaphore_mem>>)
      %dma_wait3A_72 = arith.constant 0 : i32
      %dma_wait3A_73 = arith.constant 0 : i32
      %dma_wait3A_74 = tpu.memref_slice %arg3[%arg0, %arg1, %dma_wait3A_72, %dma_wait3A_73] : memref<2x16x162x128xi32, #tpu.memory_space<hbm>> -> memref<1x1x162x128xi32, #tpu.memory_space<hbm>>
      %dma_wait3A_75 = tpu.memref_squeeze %dma_wait3A_74 : memref<1x1x162x128xi32, #tpu.memory_space<hbm>> -> memref<162x128xi32, #tpu.memory_space<hbm>>
      %dma_wait3A_76 = arith.constant 0 : i32
      %dma_wait3A_77 = arith.constant 0 : i32
      %dma_wait3A_78 = tpu.memref_slice %arg3[%arg0, %arg1, %dma_wait3A_76, %dma_wait3A_77] : memref<2x16x162x128xi32, #tpu.memory_space<hbm>> -> memref<1x1x162x128xi32, #tpu.memory_space<hbm>>
      %dma_wait3A_79 = tpu.memref_squeeze %dma_wait3A_78 : memref<1x1x162x128xi32, #tpu.memory_space<hbm>> -> memref<162x128xi32, #tpu.memory_space<hbm>>
      tpu.wait_dma2 semaphore(%run_scoped3A_63 : memref<!tpu.dma_semaphore, #tpu.memory_space<semaphore_mem>>) src(%dma_wait3A_79 : memref<162x128xi32, #tpu.memory_space<hbm>>) dst(%arg6 : memref<162x128xi32, #tpu.memory_space<vmem>>)
      tpu.yield
    }) : () -> ()
    "tpu.region"() ({
      %run_scoped3A_63 = tpu.sem_alloc : memref<!tpu.dma_semaphore, #tpu.memory_space<semaphore_mem>>
      %dma_start3A_64 = arith.constant 0 : i32
      %dma_start3A_65 = arith.constant 0 : i32
      %dma_start3A_66 = tpu.memref_slice %arg4[%arg1, %dma_start3A_64, %dma_start3A_65] : memref<16x162x128xi32, #tpu.memory_space<hbm>> -> memref<1x162x128xi32, #tpu.memory_space<hbm>>
      %dma_start3A_67 = tpu.memref_squeeze %dma_start3A_66 : memref<1x162x128xi32, #tpu.memory_space<hbm>> -> memref<162x128xi32, #tpu.memory_space<hbm>>
      %dma_start3A_68 = arith.constant 0 : i32
      %dma_start3A_69 = arith.constant 0 : i32
      %dma_start3A_70 = tpu.memref_slice %arg4[%arg1, %dma_start3A_68, %dma_start3A_69] : memref<16x162x128xi32, #tpu.memory_space<hbm>> -> memref<1x162x128xi32, #tpu.memory_space<hbm>>
      %dma_start3A_71 = tpu.memref_squeeze %dma_start3A_70 : memref<1x162x128xi32, #tpu.memory_space<hbm>> -> memref<162x128xi32, #tpu.memory_space<hbm>>
      tpu.enqueue_dma source(%dma_start3A_71 : memref<162x128xi32, #tpu.memory_space<hbm>>) target(%arg7 : memref<162x128xi32, #tpu.memory_space<vmem>>) target_semaphore(%run_scoped3A_63 : memref<!tpu.dma_semaphore, #tpu.memory_space<semaphore_mem>>)
      %dma_wait3A_72 = arith.constant 0 : i32
      %dma_wait3A_73 = arith.constant 0 : i32
      %dma_wait3A_74 = tpu.memref_slice %arg4[%arg1, %dma_wait3A_72, %dma_wait3A_73] : memref<16x162x128xi32, #tpu.memory_space<hbm>> -> memref<1x162x128xi32, #tpu.memory_space<hbm>>
      %dma_wait3A_75 = tpu.memref_squeeze %dma_wait3A_74 : memref<1x162x128xi32, #tpu.memory_space<hbm>> -> memref<162x128xi32, #tpu.memory_space<hbm>>
      %dma_wait3A_76 = arith.constant 0 : i32
      %dma_wait3A_77 = arith.constant 0 : i32
      %dma_wait3A_78 = tpu.memref_slice %arg4[%arg1, %dma_wait3A_76, %dma_wait3A_77] : memref<16x162x128xi32, #tpu.memory_space<hbm>> -> memref<1x162x128xi32, #tpu.memory_space<hbm>>
      %dma_wait3A_79 = tpu.memref_squeeze %dma_wait3A_78 : memref<1x162x128xi32, #tpu.memory_space<hbm>> -> memref<162x128xi32, #tpu.memory_space<hbm>>
      tpu.wait_dma2 semaphore(%run_scoped3A_63 : memref<!tpu.dma_semaphore, #tpu.memory_space<semaphore_mem>>) src(%dma_wait3A_79 : memref<162x128xi32, #tpu.memory_space<hbm>>) dst(%arg7 : memref<162x128xi32, #tpu.memory_space<vmem>>)
      tpu.yield
    }) : () -> ()
    %broadcast_in_dim3A = arith.constant 0.000000e+00 : f32
    %broadcast_in_dim3A_0 = vector.broadcast %broadcast_in_dim3A : f32 to vector<16xf32>
    %scan3A = arith.constant 0 : i32
    %scan3A_1 = arith.constant 512 : i32
    %scan3A_2 = arith.addi %scan3A, %scan3A_1 : i32
    %scan3A_3 = arith.constant 1 : i32
    scf.for %scan3A_63 = %scan3A to %scan3A_2 step %scan3A_3  : i32 {
      %mul3A_64 = arith.constant 1 : i32
      %mul3A_65 = arith.muli %scan3A_63, %mul3A_64 : i32
      %add3A_66 = arith.constant 0 : i32
      %add3A_67 = arith.addi %add3A_66, %mul3A_65 : i32
      %jit3A = arith.constant 4 : i32
      %div3A = arith.divsi %add3A_67, %jit3A : i32
      %sign3A = arith.constant 0 : i32
      %sign3A_68 = arith.cmpi sgt, %add3A_67, %sign3A : i32
      %sign3A_69 = arith.extui %sign3A_68 : i1 to i32
      %sign3A_70 = arith.constant 0 : i32
      %sign3A_71 = arith.cmpi slt, %add3A_67, %sign3A_70 : i32
      %sign3A_72 = arith.extui %sign3A_71 : i1 to i32
      %sign3A_73 = arith.subi %sign3A_69, %sign3A_72 : i32
      %sign3A_74 = arith.constant 0 : i32
      %sign3A_75 = arith.cmpi sgt, %jit3A, %sign3A_74 : i32
      %sign3A_76 = arith.extui %sign3A_75 : i1 to i32
      %sign3A_77 = arith.constant 0 : i32
      %sign3A_78 = arith.cmpi slt, %jit3A, %sign3A_77 : i32
      %sign3A_79 = arith.extui %sign3A_78 : i1 to i32
      %sign3A_80 = arith.subi %sign3A_76, %sign3A_79 : i32
      %ne3A = arith.cmpi ne, %sign3A_73, %sign3A_80 : i32
      %rem3A = arith.remsi %add3A_67, %jit3A : i32
      %ne3A_81 = arith.constant 0 : i32
      %ne3A_82 = arith.cmpi ne, %rem3A, %ne3A_81 : i32
      %and3A = arith.andi %ne3A, %ne3A_82 : i1
      %sub3A = arith.constant 1 : i32
      %sub3A_83 = arith.subi %div3A, %sub3A : i32
      %select_n3A = arith.select %and3A, %sub3A_83, %div3A : i32
      %jit3A_84 = arith.constant 4 : i32
      %eq3A = arith.constant 0 : i32
      %eq3A_85 = arith.cmpi eq, %jit3A_84, %eq3A : i32
      %jit3A_86 = arith.constant 1 : i32
      %select_n3A_87 = arith.select %eq3A_85, %jit3A_86, %jit3A_84 : i32
      %rem3A_88 = arith.remsi %add3A_67, %select_n3A_87 : i32
      %ne3A_89 = arith.constant 0 : i32
      %ne3A_90 = arith.cmpi ne, %rem3A_88, %ne3A_89 : i32
      %lt3A = arith.constant 0 : i32
      %lt3A_91 = arith.cmpi slt, %rem3A_88, %lt3A : i32
      %lt3A_92 = arith.constant 0 : i32
      %lt3A_93 = arith.cmpi slt, %select_n3A_87, %lt3A_92 : i32
      %ne3A_94 = arith.xori %lt3A_91, %lt3A_93 : i1
      %and3A_95 = arith.andi %ne3A_94, %ne3A_90 : i1
      %add3A_96 = arith.addi %rem3A_88, %select_n3A_87 : i32
      %select_n3A_97 = arith.select %and3A_95, %add3A_96, %rem3A_88 : i32
      %mul3A_98 = arith.constant 16 : i32
      %mul3A_99 = arith.muli %select_n3A_97, %mul3A_98 : i32
      %swap3A = arith.index_cast %select_n3A : i32 to index
      %swap3A_100 = arith.index_cast %mul3A_99 : i32 to index
      %swap3A_101 = tpu.vector_load %arg8[%swap3A, %swap3A_100] {strides = array<i32>} : memref<128x64xf32, #tpu.memory_space<vmem>>, vector<1x16xf32>,
      %swap3A_102 = vector.shape_cast %swap3A_101 : vector<1x16xf32> to vector<16xf32>
      %swap3A_103 = vector.shape_cast %broadcast_in_dim3A_0 : vector<16xf32> to vector<1x16xf32>
      tpu.vector_store %arg8[%swap3A, %swap3A_100], %swap3A_103 {strides = array<i32>} : memref<128x64xf32, #tpu.memory_space<vmem>>, vector<1x16xf32>,
    }
    %scan3A_4 = arith.constant 512 : i32
    %mul3A = arith.constant 640 : i32
    %mul3A_5 = arith.muli %arg1, %mul3A : i32
    %add3A = arith.constant 0 : i32
    %add3A_6 = arith.addi %mul3A_5, %add3A : i32
    "tpu.region"() ({
      %run_scoped3A_63 = tpu.sem_alloc : memref<!tpu.dma_semaphore, #tpu.memory_space<semaphore_mem>>
      %dma_start3A_64 = arith.constant 0 : i32
      %dma_start3A_65 = tpu.memref_slice %arg14[%add3A_6, %dma_start3A_64] : memref<10240x64xf32, #tpu.memory_space<vmem_shared>> -> memref<128x64xf32, #tpu.memory_space<vmem_shared>>
      %dma_start3A_66 = arith.constant 0 : i32
      %dma_start3A_67 = tpu.memref_slice %arg14[%add3A_6, %dma_start3A_66] : memref<10240x64xf32, #tpu.memory_space<vmem_shared>> -> memref<128x64xf32, #tpu.memory_space<vmem_shared>>
      tpu.enqueue_dma source(%arg8 : memref<128x64xf32, #tpu.memory_space<vmem>>) target(%dma_start3A_67 : memref<128x64xf32, #tpu.memory_space<vmem_shared>>) target_semaphore(%run_scoped3A_63 : memref<!tpu.dma_semaphore, #tpu.memory_space<semaphore_mem>>)
      %dma_wait3A_68 = arith.constant 0 : i32
      %dma_wait3A_69 = tpu.memref_slice %arg14[%add3A_6, %dma_wait3A_68] : memref<10240x64xf32, #tpu.memory_space<vmem_shared>> -> memref<128x64xf32, #tpu.memory_space<vmem_shared>>
      %dma_wait3A_70 = arith.constant 0 : i32
      %dma_wait3A_71 = tpu.memref_slice %arg14[%add3A_6, %dma_wait3A_70] : memref<10240x64xf32, #tpu.memory_space<vmem_shared>> -> memref<128x64xf32, #tpu.memory_space<vmem_shared>>
      tpu.wait_dma2 semaphore(%run_scoped3A_63 : memref<!tpu.dma_semaphore, #tpu.memory_space<semaphore_mem>>) src(%arg8 : memref<128x64xf32, #tpu.memory_space<vmem>>) dst(%dma_wait3A_71 : memref<128x64xf32, #tpu.memory_space<vmem_shared>>)
      tpu.yield
    }) : () -> ()
    %add3A_7 = arith.constant 128 : i32
    %add3A_8 = arith.addi %mul3A_5, %add3A_7 : i32
    "tpu.region"() ({
      %run_scoped3A_63 = tpu.sem_alloc : memref<!tpu.dma_semaphore, #tpu.memory_space<semaphore_mem>>
      %dma_start3A_64 = arith.constant 0 : i32
      %dma_start3A_65 = tpu.memref_slice %arg14[%add3A_8, %dma_start3A_64] : memref<10240x64xf32, #tpu.memory_space<vmem_shared>> -> memref<128x64xf32, #tpu.memory_space<vmem_shared>>
      %dma_start3A_66 = arith.constant 0 : i32
      %dma_start3A_67 = tpu.memref_slice %arg14[%add3A_8, %dma_start3A_66] : memref<10240x64xf32, #tpu.memory_space<vmem_shared>> -> memref<128x64xf32, #tpu.memory_space<vmem_shared>>
      tpu.enqueue_dma source(%arg8 : memref<128x64xf32, #tpu.memory_space<vmem>>) target(%dma_start3A_67 : memref<128x64xf32, #tpu.memory_space<vmem_shared>>) target_semaphore(%run_scoped3A_63 : memref<!tpu.dma_semaphore, #tpu.memory_space<semaphore_mem>>)
      %dma_wait3A_68 = arith.constant 0 : i32
      %dma_wait3A_69 = tpu.memref_slice %arg14[%add3A_8, %dma_wait3A_68] : memref<10240x64xf32, #tpu.memory_space<vmem_shared>> -> memref<128x64xf32, #tpu.memory_space<vmem_shared>>
      %dma_wait3A_70 = arith.constant 0 : i32
      %dma_wait3A_71 = tpu.memref_slice %arg14[%add3A_8, %dma_wait3A_70] : memref<10240x64xf32, #tpu.memory_space<vmem_shared>> -> memref<128x64xf32, #tpu.memory_space<vmem_shared>>
      tpu.wait_dma2 semaphore(%run_scoped3A_63 : memref<!tpu.dma_semaphore, #tpu.memory_space<semaphore_mem>>) src(%arg8 : memref<128x64xf32, #tpu.memory_space<vmem>>) dst(%dma_wait3A_71 : memref<128x64xf32, #tpu.memory_space<vmem_shared>>)
      tpu.yield
    }) : () -> ()
    %add3A_9 = arith.constant 256 : i32
    %add3A_10 = arith.addi %mul3A_5, %add3A_9 : i32
    "tpu.region"() ({
      %run_scoped3A_63 = tpu.sem_alloc : memref<!tpu.dma_semaphore, #tpu.memory_space<semaphore_mem>>
      %dma_start3A_64 = arith.constant 0 : i32
      %dma_start3A_65 = tpu.memref_slice %arg14[%add3A_10, %dma_start3A_64] : memref<10240x64xf32, #tpu.memory_space<vmem_shared>> -> memref<128x64xf32, #tpu.memory_space<vmem_shared>>
      %dma_start3A_66 = arith.constant 0 : i32
      %dma_start3A_67 = tpu.memref_slice %arg14[%add3A_10, %dma_start3A_66] : memref<10240x64xf32, #tpu.memory_space<vmem_shared>> -> memref<128x64xf32, #tpu.memory_space<vmem_shared>>
      tpu.enqueue_dma source(%arg8 : memref<128x64xf32, #tpu.memory_space<vmem>>) target(%dma_start3A_67 : memref<128x64xf32, #tpu.memory_space<vmem_shared>>) target_semaphore(%run_scoped3A_63 : memref<!tpu.dma_semaphore, #tpu.memory_space<semaphore_mem>>)
      %dma_wait3A_68 = arith.constant 0 : i32
      %dma_wait3A_69 = tpu.memref_slice %arg14[%add3A_10, %dma_wait3A_68] : memref<10240x64xf32, #tpu.memory_space<vmem_shared>> -> memref<128x64xf32, #tpu.memory_space<vmem_shared>>
      %dma_wait3A_70 = arith.constant 0 : i32
      %dma_wait3A_71 = tpu.memref_slice %arg14[%add3A_10, %dma_wait3A_70] : memref<10240x64xf32, #tpu.memory_space<vmem_shared>> -> memref<128x64xf32, #tpu.memory_space<vmem_shared>>
      tpu.wait_dma2 semaphore(%run_scoped3A_63 : memref<!tpu.dma_semaphore, #tpu.memory_space<semaphore_mem>>) src(%arg8 : memref<128x64xf32, #tpu.memory_space<vmem>>) dst(%dma_wait3A_71 : memref<128x64xf32, #tpu.memory_space<vmem_shared>>)
      tpu.yield
    }) : () -> ()
    %add3A_11 = arith.constant 384 : i32
    %add3A_12 = arith.addi %mul3A_5, %add3A_11 : i32
    "tpu.region"() ({
      %run_scoped3A_63 = tpu.sem_alloc : memref<!tpu.dma_semaphore, #tpu.memory_space<semaphore_mem>>
      %dma_start3A_64 = arith.constant 0 : i32
      %dma_start3A_65 = tpu.memref_slice %arg14[%add3A_12, %dma_start3A_64] : memref<10240x64xf32, #tpu.memory_space<vmem_shared>> -> memref<128x64xf32, #tpu.memory_space<vmem_shared>>
      %dma_start3A_66 = arith.constant 0 : i32
      %dma_start3A_67 = tpu.memref_slice %arg14[%add3A_12, %dma_start3A_66] : memref<10240x64xf32, #tpu.memory_space<vmem_shared>> -> memref<128x64xf32, #tpu.memory_space<vmem_shared>>
      tpu.enqueue_dma source(%arg8 : memref<128x64xf32, #tpu.memory_space<vmem>>) target(%dma_start3A_67 : memref<128x64xf32, #tpu.memory_space<vmem_shared>>) target_semaphore(%run_scoped3A_63 : memref<!tpu.dma_semaphore, #tpu.memory_space<semaphore_mem>>)
      %dma_wait3A_68 = arith.constant 0 : i32
      %dma_wait3A_69 = tpu.memref_slice %arg14[%add3A_12, %dma_wait3A_68] : memref<10240x64xf32, #tpu.memory_space<vmem_shared>> -> memref<128x64xf32, #tpu.memory_space<vmem_shared>>
      %dma_wait3A_70 = arith.constant 0 : i32
      %dma_wait3A_71 = tpu.memref_slice %arg14[%add3A_12, %dma_wait3A_70] : memref<10240x64xf32, #tpu.memory_space<vmem_shared>> -> memref<128x64xf32, #tpu.memory_space<vmem_shared>>
      tpu.wait_dma2 semaphore(%run_scoped3A_63 : memref<!tpu.dma_semaphore, #tpu.memory_space<semaphore_mem>>) src(%arg8 : memref<128x64xf32, #tpu.memory_space<vmem>>) dst(%dma_wait3A_71 : memref<128x64xf32, #tpu.memory_space<vmem_shared>>)
      tpu.yield
    }) : () -> ()
    %add3A_13 = arith.constant 512 : i32
    %add3A_14 = arith.addi %mul3A_5, %add3A_13 : i32
    "tpu.region"() ({
      %run_scoped3A_63 = tpu.sem_alloc : memref<!tpu.dma_semaphore, #tpu.memory_space<semaphore_mem>>
      %dma_start3A_64 = arith.constant 0 : i32
      %dma_start3A_65 = tpu.memref_slice %arg14[%add3A_14, %dma_start3A_64] : memref<10240x64xf32, #tpu.memory_space<vmem_shared>> -> memref<128x64xf32, #tpu.memory_space<vmem_shared>>
      %dma_start3A_66 = arith.constant 0 : i32
      %dma_start3A_67 = tpu.memref_slice %arg14[%add3A_14, %dma_start3A_66] : memref<10240x64xf32, #tpu.memory_space<vmem_shared>> -> memref<128x64xf32, #tpu.memory_space<vmem_shared>>
      tpu.enqueue_dma source(%arg8 : memref<128x64xf32, #tpu.memory_space<vmem>>) target(%dma_start3A_67 : memref<128x64xf32, #tpu.memory_space<vmem_shared>>) target_semaphore(%run_scoped3A_63 : memref<!tpu.dma_semaphore, #tpu.memory_space<semaphore_mem>>)
      %dma_wait3A_68 = arith.constant 0 : i32
      %dma_wait3A_69 = tpu.memref_slice %arg14[%add3A_14, %dma_wait3A_68] : memref<10240x64xf32, #tpu.memory_space<vmem_shared>> -> memref<128x64xf32, #tpu.memory_space<vmem_shared>>
      %dma_wait3A_70 = arith.constant 0 : i32
      %dma_wait3A_71 = tpu.memref_slice %arg14[%add3A_14, %dma_wait3A_70] : memref<10240x64xf32, #tpu.memory_space<vmem_shared>> -> memref<128x64xf32, #tpu.memory_space<vmem_shared>>
      tpu.wait_dma2 semaphore(%run_scoped3A_63 : memref<!tpu.dma_semaphore, #tpu.memory_space<semaphore_mem>>) src(%arg8 : memref<128x64xf32, #tpu.memory_space<vmem>>) dst(%dma_wait3A_71 : memref<128x64xf32, #tpu.memory_space<vmem_shared>>)
      tpu.yield
    }) : () -> ()
    %barrier3A = arith.constant 0 : index
    tpu.barrier barrier_id(%barrier3A)
    %dma_start3A = arith.constant 0 : i32
    %dma_start3A_15 = arith.constant 0 : i32
    %dma_start3A_16 = tpu.memref_slice %arg6[%dma_start3A, %dma_start3A_15] : memref<162x128xi32, #tpu.memory_space<vmem>> -> memref<1x128xi32, #tpu.memory_space<vmem>>
    %dma_start3A_17 = tpu.memref_squeeze %dma_start3A_16 : memref<1x128xi32, #tpu.memory_space<vmem>> -> memref<128xi32, #tpu.memory_space<vmem>>
    %dma_start3A_18 = arith.constant 0 : i32
    %dma_start3A_19 = arith.constant 0 : i32
    %dma_start3A_20 = tpu.memref_slice %arg2[%dma_start3A_18, %dma_start3A_19] : memref<20000x64xf32, #tpu.memory_space<hbm>> -> memref<20000x64xf32, #tpu.memory_space<hbm>>
    tpu.enqueue_indirect_dma source(%dma_start3A_20 : memref<20000x64xf32, #tpu.memory_space<hbm>>) target(%arg8 : memref<128x64xf32, #tpu.memory_space<vmem>>) offsets(%dma_start3A_17 : memref<128xi32, #tpu.memory_space<vmem>>) semaphore(%arg11 : memref<!tpu.dma_semaphore, #tpu.memory_space<semaphore_mem>>)
    %dma_start3A_21 = arith.constant 1 : i32
    %dma_start3A_22 = arith.constant 0 : i32
    %dma_start3A_23 = tpu.memref_slice %arg6[%dma_start3A_21, %dma_start3A_22] : memref<162x128xi32, #tpu.memory_space<vmem>> -> memref<1x128xi32, #tpu.memory_space<vmem>>
    %dma_start3A_24 = tpu.memref_squeeze %dma_start3A_23 : memref<1x128xi32, #tpu.memory_space<vmem>> -> memref<128xi32, #tpu.memory_space<vmem>>
    %dma_start3A_25 = arith.constant 0 : i32
    %dma_start3A_26 = arith.constant 0 : i32
    %dma_start3A_27 = tpu.memref_slice %arg2[%dma_start3A_25, %dma_start3A_26] : memref<20000x64xf32, #tpu.memory_space<hbm>> -> memref<20000x64xf32, #tpu.memory_space<hbm>>
    tpu.enqueue_indirect_dma source(%dma_start3A_27 : memref<20000x64xf32, #tpu.memory_space<hbm>>) target(%arg9 : memref<128x64xf32, #tpu.memory_space<vmem>>) offsets(%dma_start3A_24 : memref<128xi32, #tpu.memory_space<vmem>>) semaphore(%arg12 : memref<!tpu.dma_semaphore, #tpu.memory_space<semaphore_mem>>)
    %scan3A_28 = arith.constant 0 : i32
    %scan3A_29 = arith.constant 53 : i32
    %scan3A_30 = arith.addi %scan3A_28, %scan3A_29 : i32
    %scan3A_31 = arith.constant 1 : i32
    scf.for %scan3A_63 = %scan3A_28 to %scan3A_30 step %scan3A_31  : i32 {
      %mul3A_64 = arith.constant 1 : i32
      %mul3A_65 = arith.muli %scan3A_63, %mul3A_64 : i32
      %add3A_66 = arith.constant 0 : i32
      %add3A_67 = arith.addi %add3A_66, %mul3A_65 : i32
      %mul3A_68 = arith.constant 3 : i32
      %mul3A_69 = arith.muli %add3A_67, %mul3A_68 : i32
      %add3A_70 = arith.constant 0 : i32
      %add3A_71 = arith.addi %mul3A_69, %add3A_70 : i32
      %dma_wait3A_72 = arith.constant 0 : i32
      %dma_wait3A_73 = tpu.memref_slice %arg6[%add3A_71, %dma_wait3A_72] : memref<162x128xi32, #tpu.memory_space<vmem>> -> memref<1x128xi32, #tpu.memory_space<vmem>>
      %dma_wait3A_74 = tpu.memref_squeeze %dma_wait3A_73 : memref<1x128xi32, #tpu.memory_space<vmem>> -> memref<128xi32, #tpu.memory_space<vmem>>
      %dma_wait3A_75 = arith.constant 0 : i32
      %dma_wait3A_76 = arith.constant 0 : i32
      %dma_wait3A_77 = tpu.memref_slice %arg2[%dma_wait3A_75, %dma_wait3A_76] : memref<20000x64xf32, #tpu.memory_space<hbm>> -> memref<20000x64xf32, #tpu.memory_space<hbm>>
      tpu.wait_indirect_dma semaphore(%arg11 : memref<!tpu.dma_semaphore, #tpu.memory_space<semaphore_mem>>) src(%dma_wait3A_77 : memref<20000x64xf32, #tpu.memory_space<hbm>>) dst(%arg8 : memref<128x64xf32, #tpu.memory_space<vmem>>)
      %add3A_78 = arith.constant 2 : i32
      %add3A_79 = arith.addi %add3A_71, %add3A_78 : i32
      %dma_start3A_80 = arith.constant 0 : i32
      %dma_start3A_81 = tpu.memref_slice %arg6[%add3A_79, %dma_start3A_80] : memref<162x128xi32, #tpu.memory_space<vmem>> -> memref<1x128xi32, #tpu.memory_space<vmem>>
      %dma_start3A_82 = tpu.memref_squeeze %dma_start3A_81 : memref<1x128xi32, #tpu.memory_space<vmem>> -> memref<128xi32, #tpu.memory_space<vmem>>
      %dma_start3A_83 = arith.constant 0 : i32
      %dma_start3A_84 = arith.constant 0 : i32
      %dma_start3A_85 = tpu.memref_slice %arg2[%dma_start3A_83, %dma_start3A_84] : memref<20000x64xf32, #tpu.memory_space<hbm>> -> memref<20000x64xf32, #tpu.memory_space<hbm>>
      tpu.enqueue_indirect_dma source(%dma_start3A_85 : memref<20000x64xf32, #tpu.memory_space<hbm>>) target(%arg10 : memref<128x64xf32, #tpu.memory_space<vmem>>) offsets(%dma_start3A_82 : memref<128xi32, #tpu.memory_space<vmem>>) semaphore(%arg13 : memref<!tpu.dma_semaphore, #tpu.memory_space<semaphore_mem>>)
      "tpu.region"() ({
        %run_scoped3A_118 = tpu.sem_alloc : memref<!tpu.dma_semaphore, #tpu.memory_space<semaphore_mem>>
        %dma_start3A_119 = arith.constant 0 : i32
        %dma_start3A_120 = tpu.memref_slice %arg7[%add3A_71, %dma_start3A_119] : memref<162x128xi32, #tpu.memory_space<vmem>> -> memref<1x128xi32, #tpu.memory_space<vmem>>
        %dma_start3A_121 = tpu.memref_squeeze %dma_start3A_120 : memref<1x128xi32, #tpu.memory_space<vmem>> -> memref<128xi32, #tpu.memory_space<vmem>>
        %dma_start3A_122 = arith.constant 0 : i32
        %dma_start3A_123 = arith.constant 0 : i32
        %dma_start3A_124 = tpu.memref_slice %arg14[%dma_start3A_122, %dma_start3A_123] : memref<10240x64xf32, #tpu.memory_space<vmem_shared>> -> memref<10240x64xf32, #tpu.memory_space<vmem_shared>>
        tpu.enqueue_indirect_dma source(%arg8 : memref<128x64xf32, #tpu.memory_space<vmem>>) target(%dma_start3A_124 : memref<10240x64xf32, #tpu.memory_space<vmem_shared>>) offsets(%dma_start3A_121 : memref<128xi32, #tpu.memory_space<vmem>>) semaphore(%run_scoped3A_118 : memref<!tpu.dma_semaphore, #tpu.memory_space<semaphore_mem>>) {add = true}
        %dma_wait3A_125 = arith.constant 0 : i32
        %dma_wait3A_126 = tpu.memref_slice %arg7[%add3A_71, %dma_wait3A_125] : memref<162x128xi32, #tpu.memory_space<vmem>> -> memref<1x128xi32, #tpu.memory_space<vmem>>
        %dma_wait3A_127 = tpu.memref_squeeze %dma_wait3A_126 : memref<1x128xi32, #tpu.memory_space<vmem>> -> memref<128xi32, #tpu.memory_space<vmem>>
        %dma_wait3A_128 = arith.constant 0 : i32
        %dma_wait3A_129 = arith.constant 0 : i32
        %dma_wait3A_130 = tpu.memref_slice %arg14[%dma_wait3A_128, %dma_wait3A_129] : memref<10240x64xf32, #tpu.memory_space<vmem_shared>> -> memref<10240x64xf32, #tpu.memory_space<vmem_shared>>
        tpu.wait_indirect_dma semaphore(%run_scoped3A_118 : memref<!tpu.dma_semaphore, #tpu.memory_space<semaphore_mem>>) src(%arg8 : memref<128x64xf32, #tpu.memory_space<vmem>>) dst(%dma_wait3A_130 : memref<10240x64xf32, #tpu.memory_space<vmem_shared>>)
        tpu.yield
      }) : () -> ()
      %add3A_86 = arith.constant 1 : i32
      %add3A_87 = arith.addi %mul3A_69, %add3A_86 : i32
      %dma_wait3A_88 = arith.constant 0 : i32
      %dma_wait3A_89 = tpu.memref_slice %arg6[%add3A_87, %dma_wait3A_88] : memref<162x128xi32, #tpu.memory_space<vmem>> -> memref<1x128xi32, #tpu.memory_space<vmem>>
      %dma_wait3A_90 = tpu.memref_squeeze %dma_wait3A_89 : memref<1x128xi32, #tpu.memory_space<vmem>> -> memref<128xi32, #tpu.memory_space<vmem>>
      %dma_wait3A_91 = arith.constant 0 : i32
      %dma_wait3A_92 = arith.constant 0 : i32
      %dma_wait3A_93 = tpu.memref_slice %arg2[%dma_wait3A_91, %dma_wait3A_92] : memref<20000x64xf32, #tpu.memory_space<hbm>> -> memref<20000x64xf32, #tpu.memory_space<hbm>>
      tpu.wait_indirect_dma semaphore(%arg12 : memref<!tpu.dma_semaphore, #tpu.memory_space<semaphore_mem>>) src(%dma_wait3A_93 : memref<20000x64xf32, #tpu.memory_space<hbm>>) dst(%arg9 : memref<128x64xf32, #tpu.memory_space<vmem>>)
      %add3A_94 = arith.constant 2 : i32
      %add3A_95 = arith.addi %add3A_87, %add3A_94 : i32
      %dma_start3A_96 = arith.constant 0 : i32
      %dma_start3A_97 = tpu.memref_slice %arg6[%add3A_95, %dma_start3A_96] : memref<162x128xi32, #tpu.memory_space<vmem>> -> memref<1x128xi32, #tpu.memory_space<vmem>>
      %dma_start3A_98 = tpu.memref_squeeze %dma_start3A_97 : memref<1x128xi32, #tpu.memory_space<vmem>> -> memref<128xi32, #tpu.memory_space<vmem>>
      %dma_start3A_99 = arith.constant 0 : i32
      %dma_start3A_100 = arith.constant 0 : i32
      %dma_start3A_101 = tpu.memref_slice %arg2[%dma_start3A_99, %dma_start3A_100] : memref<20000x64xf32, #tpu.memory_space<hbm>> -> memref<20000x64xf32, #tpu.memory_space<hbm>>
      tpu.enqueue_indirect_dma source(%dma_start3A_101 : memref<20000x64xf32, #tpu.memory_space<hbm>>) target(%arg8 : memref<128x64xf32, #tpu.memory_space<vmem>>) offsets(%dma_start3A_98 : memref<128xi32, #tpu.memory_space<vmem>>) semaphore(%arg11 : memref<!tpu.dma_semaphore, #tpu.memory_space<semaphore_mem>>)
      "tpu.region"() ({
        %run_scoped3A_118 = tpu.sem_alloc : memref<!tpu.dma_semaphore, #tpu.memory_space<semaphore_mem>>
        %dma_start3A_119 = arith.constant 0 : i32
        %dma_start3A_120 = tpu.memref_slice %arg7[%add3A_87, %dma_start3A_119] : memref<162x128xi32, #tpu.memory_space<vmem>> -> memref<1x128xi32, #tpu.memory_space<vmem>>
        %dma_start3A_121 = tpu.memref_squeeze %dma_start3A_120 : memref<1x128xi32, #tpu.memory_space<vmem>> -> memref<128xi32, #tpu.memory_space<vmem>>
        %dma_start3A_122 = arith.constant 0 : i32
        %dma_start3A_123 = arith.constant 0 : i32
        %dma_start3A_124 = tpu.memref_slice %arg14[%dma_start3A_122, %dma_start3A_123] : memref<10240x64xf32, #tpu.memory_space<vmem_shared>> -> memref<10240x64xf32, #tpu.memory_space<vmem_shared>>
        tpu.enqueue_indirect_dma source(%arg9 : memref<128x64xf32, #tpu.memory_space<vmem>>) target(%dma_start3A_124 : memref<10240x64xf32, #tpu.memory_space<vmem_shared>>) offsets(%dma_start3A_121 : memref<128xi32, #tpu.memory_space<vmem>>) semaphore(%run_scoped3A_118 : memref<!tpu.dma_semaphore, #tpu.memory_space<semaphore_mem>>) {add = true}
        %dma_wait3A_125 = arith.constant 0 : i32
        %dma_wait3A_126 = tpu.memref_slice %arg7[%add3A_87, %dma_wait3A_125] : memref<162x128xi32, #tpu.memory_space<vmem>> -> memref<1x128xi32, #tpu.memory_space<vmem>>
        %dma_wait3A_127 = tpu.memref_squeeze %dma_wait3A_126 : memref<1x128xi32, #tpu.memory_space<vmem>> -> memref<128xi32, #tpu.memory_space<vmem>>
        %dma_wait3A_128 = arith.constant 0 : i32
        %dma_wait3A_129 = arith.constant 0 : i32
        %dma_wait3A_130 = tpu.memref_slice %arg14[%dma_wait3A_128, %dma_wait3A_129] : memref<10240x64xf32, #tpu.memory_space<vmem_shared>> -> memref<10240x64xf32, #tpu.memory_space<vmem_shared>>
        tpu.wait_indirect_dma semaphore(%run_scoped3A_118 : memref<!tpu.dma_semaphore, #tpu.memory_space<semaphore_mem>>) src(%arg9 : memref<128x64xf32, #tpu.memory_space<vmem>>) dst(%dma_wait3A_130 : memref<10240x64xf32, #tpu.memory_space<vmem_shared>>)
        tpu.yield
      }) : () -> ()
      %add3A_102 = arith.constant 2 : i32
      %add3A_103 = arith.addi %mul3A_69, %add3A_102 : i32
      %dma_wait3A_104 = arith.constant 0 : i32
      %dma_wait3A_105 = tpu.memref_slice %arg6[%add3A_103, %dma_wait3A_104] : memref<162x128xi32, #tpu.memory_space<vmem>> -> memref<1x128xi32, #tpu.memory_space<vmem>>
      %dma_wait3A_106 = tpu.memref_squeeze %dma_wait3A_105 : memref<1x128xi32, #tpu.memory_space<vmem>> -> memref<128xi32, #tpu.memory_space<vmem>>
      %dma_wait3A_107 = arith.constant 0 : i32
      %dma_wait3A_108 = arith.constant 0 : i32
      %dma_wait3A_109 = tpu.memref_slice %arg2[%dma_wait3A_107, %dma_wait3A_108] : memref<20000x64xf32, #tpu.memory_space<hbm>> -> memref<20000x64xf32, #tpu.memory_space<hbm>>
      tpu.wait_indirect_dma semaphore(%arg13 : memref<!tpu.dma_semaphore, #tpu.memory_space<semaphore_mem>>) src(%dma_wait3A_109 : memref<20000x64xf32, #tpu.memory_space<hbm>>) dst(%arg10 : memref<128x64xf32, #tpu.memory_space<vmem>>)
      %add3A_110 = arith.constant 2 : i32
      %add3A_111 = arith.addi %add3A_103, %add3A_110 : i32
      %dma_start3A_112 = arith.constant 0 : i32
      %dma_start3A_113 = tpu.memref_slice %arg6[%add3A_111, %dma_start3A_112] : memref<162x128xi32, #tpu.memory_space<vmem>> -> memref<1x128xi32, #tpu.memory_space<vmem>>
      %dma_start3A_114 = tpu.memref_squeeze %dma_start3A_113 : memref<1x128xi32, #tpu.memory_space<vmem>> -> memref<128xi32, #tpu.memory_space<vmem>>
      %dma_start3A_115 = arith.constant 0 : i32
      %dma_start3A_116 = arith.constant 0 : i32
      %dma_start3A_117 = tpu.memref_slice %arg2[%dma_start3A_115, %dma_start3A_116] : memref<20000x64xf32, #tpu.memory_space<hbm>> -> memref<20000x64xf32, #tpu.memory_space<hbm>>
      tpu.enqueue_indirect_dma source(%dma_start3A_117 : memref<20000x64xf32, #tpu.memory_space<hbm>>) target(%arg9 : memref<128x64xf32, #tpu.memory_space<vmem>>) offsets(%dma_start3A_114 : memref<128xi32, #tpu.memory_space<vmem>>) semaphore(%arg12 : memref<!tpu.dma_semaphore, #tpu.memory_space<semaphore_mem>>)
      "tpu.region"() ({
        %run_scoped3A_118 = tpu.sem_alloc : memref<!tpu.dma_semaphore, #tpu.memory_space<semaphore_mem>>
        %dma_start3A_119 = arith.constant 0 : i32
        %dma_start3A_120 = tpu.memref_slice %arg7[%add3A_103, %dma_start3A_119] : memref<162x128xi32, #tpu.memory_space<vmem>> -> memref<1x128xi32, #tpu.memory_space<vmem>>
        %dma_start3A_121 = tpu.memref_squeeze %dma_start3A_120 : memref<1x128xi32, #tpu.memory_space<vmem>> -> memref<128xi32, #tpu.memory_space<vmem>>
        %dma_start3A_122 = arith.constant 0 : i32
        %dma_start3A_123 = arith.constant 0 : i32
        %dma_start3A_124 = tpu.memref_slice %arg14[%dma_start3A_122, %dma_start3A_123] : memref<10240x64xf32, #tpu.memory_space<vmem_shared>> -> memref<10240x64xf32, #tpu.memory_space<vmem_shared>>
        tpu.enqueue_indirect_dma source(%arg10 : memref<128x64xf32, #tpu.memory_space<vmem>>) target(%dma_start3A_124 : memref<10240x64xf32, #tpu.memory_space<vmem_shared>>) offsets(%dma_start3A_121 : memref<128xi32, #tpu.memory_space<vmem>>) semaphore(%run_scoped3A_118 : memref<!tpu.dma_semaphore, #tpu.memory_space<semaphore_mem>>) {add = true}
        %dma_wait3A_125 = arith.constant 0 : i32
        %dma_wait3A_126 = tpu.memref_slice %arg7[%add3A_103, %dma_wait3A_125] : memref<162x128xi32, #tpu.memory_space<vmem>> -> memref<1x128xi32, #tpu.memory_space<vmem>>
        %dma_wait3A_127 = tpu.memref_squeeze %dma_wait3A_126 : memref<1x128xi32, #tpu.memory_space<vmem>> -> memref<128xi32, #tpu.memory_space<vmem>>
        %dma_wait3A_128 = arith.constant 0 : i32
        %dma_wait3A_129 = arith.constant 0 : i32
        %dma_wait3A_130 = tpu.memref_slice %arg14[%dma_wait3A_128, %dma_wait3A_129] : memref<10240x64xf32, #tpu.memory_space<vmem_shared>> -> memref<10240x64xf32, #tpu.memory_space<vmem_shared>>
        tpu.wait_indirect_dma semaphore(%run_scoped3A_118 : memref<!tpu.dma_semaphore, #tpu.memory_space<semaphore_mem>>) src(%arg10 : memref<128x64xf32, #tpu.memory_space<vmem>>) dst(%dma_wait3A_130 : memref<10240x64xf32, #tpu.memory_space<vmem_shared>>)
        tpu.yield
      }) : () -> ()
    }
    %scan3A_32 = arith.constant 53 : i32
    %dma_start3A_33 = arith.constant 161 : i32
    %dma_start3A_34 = arith.constant 0 : i32
    %dma_start3A_35 = tpu.memref_slice %arg6[%dma_start3A_33, %dma_start3A_34] : memref<162x128xi32, #tpu.memory_space<vmem>> -> memref<1x128xi32, #tpu.memory_space<vmem>>
    %dma_start3A_36 = tpu.memref_squeeze %dma_start3A_35 : memref<1x128xi32, #tpu.memory_space<vmem>> -> memref<128xi32, #tpu.memory_space<vmem>>
    %dma_start3A_37 = arith.constant 0 : i32
    %dma_start3A_38 = arith.constant 0 : i32
    %dma_start3A_39 = tpu.memref_slice %arg2[%dma_start3A_37, %dma_start3A_38] : memref<20000x64xf32, #tpu.memory_space<hbm>> -> memref<20000x64xf32, #tpu.memory_space<hbm>>
    tpu.enqueue_indirect_dma source(%dma_start3A_39 : memref<20000x64xf32, #tpu.memory_space<hbm>>) target(%arg10 : memref<128x64xf32, #tpu.memory_space<vmem>>) offsets(%dma_start3A_36 : memref<128xi32, #tpu.memory_space<vmem>>) semaphore(%arg13 : memref<!tpu.dma_semaphore, #tpu.memory_space<semaphore_mem>>)
    %dma_wait3A = arith.constant 159 : i32
    %dma_wait3A_40 = arith.constant 0 : i32
    %dma_wait3A_41 = tpu.memref_slice %arg6[%dma_wait3A, %dma_wait3A_40] : memref<162x128xi32, #tpu.memory_space<vmem>> -> memref<1x128xi32, #tpu.memory_space<vmem>>
    %dma_wait3A_42 = tpu.memref_squeeze %dma_wait3A_41 : memref<1x128xi32, #tpu.memory_space<vmem>> -> memref<128xi32, #tpu.memory_space<vmem>>
    %dma_wait3A_43 = arith.constant 0 : i32
    %dma_wait3A_44 = arith.constant 0 : i32
    %dma_wait3A_45 = tpu.memref_slice %arg2[%dma_wait3A_43, %dma_wait3A_44] : memref<20000x64xf32, #tpu.memory_space<hbm>> -> memref<20000x64xf32, #tpu.memory_space<hbm>>
    tpu.wait_indirect_dma semaphore(%arg11 : memref<!tpu.dma_semaphore, #tpu.memory_space<semaphore_mem>>) src(%dma_wait3A_45 : memref<20000x64xf32, #tpu.memory_space<hbm>>) dst(%arg8 : memref<128x64xf32, #tpu.memory_space<vmem>>)
    %run_scoped3A = arith.constant 159 : i32
    "tpu.region"() ({
      %run_scoped3A_63 = tpu.sem_alloc : memref<!tpu.dma_semaphore, #tpu.memory_space<semaphore_mem>>
      %dma_start3A_64 = arith.constant 0 : i32
      %dma_start3A_65 = tpu.memref_slice %arg7[%run_scoped3A, %dma_start3A_64] : memref<162x128xi32, #tpu.memory_space<vmem>> -> memref<1x128xi32, #tpu.memory_space<vmem>>
      %dma_start3A_66 = tpu.memref_squeeze %dma_start3A_65 : memref<1x128xi32, #tpu.memory_space<vmem>> -> memref<128xi32, #tpu.memory_space<vmem>>
      %dma_start3A_67 = arith.constant 0 : i32
      %dma_start3A_68 = arith.constant 0 : i32
      %dma_start3A_69 = tpu.memref_slice %arg14[%dma_start3A_67, %dma_start3A_68] : memref<10240x64xf32, #tpu.memory_space<vmem_shared>> -> memref<10240x64xf32, #tpu.memory_space<vmem_shared>>
      tpu.enqueue_indirect_dma source(%arg8 : memref<128x64xf32, #tpu.memory_space<vmem>>) target(%dma_start3A_69 : memref<10240x64xf32, #tpu.memory_space<vmem_shared>>) offsets(%dma_start3A_66 : memref<128xi32, #tpu.memory_space<vmem>>) semaphore(%run_scoped3A_63 : memref<!tpu.dma_semaphore, #tpu.memory_space<semaphore_mem>>) {add = true}
      %dma_wait3A_70 = arith.constant 0 : i32
      %dma_wait3A_71 = tpu.memref_slice %arg7[%run_scoped3A, %dma_wait3A_70] : memref<162x128xi32, #tpu.memory_space<vmem>> -> memref<1x128xi32, #tpu.memory_space<vmem>>
      %dma_wait3A_72 = tpu.memref_squeeze %dma_wait3A_71 : memref<1x128xi32, #tpu.memory_space<vmem>> -> memref<128xi32, #tpu.memory_space<vmem>>
      %dma_wait3A_73 = arith.constant 0 : i32
      %dma_wait3A_74 = arith.constant 0 : i32
      %dma_wait3A_75 = tpu.memref_slice %arg14[%dma_wait3A_73, %dma_wait3A_74] : memref<10240x64xf32, #tpu.memory_space<vmem_shared>> -> memref<10240x64xf32, #tpu.memory_space<vmem_shared>>
      tpu.wait_indirect_dma semaphore(%run_scoped3A_63 : memref<!tpu.dma_semaphore, #tpu.memory_space<semaphore_mem>>) src(%arg8 : memref<128x64xf32, #tpu.memory_space<vmem>>) dst(%dma_wait3A_75 : memref<10240x64xf32, #tpu.memory_space<vmem_shared>>)
      tpu.yield
    }) : () -> ()
    %dma_wait3A_46 = arith.constant 160 : i32
    %dma_wait3A_47 = arith.constant 0 : i32
    %dma_wait3A_48 = tpu.memref_slice %arg6[%dma_wait3A_46, %dma_wait3A_47] : memref<162x128xi32, #tpu.memory_space<vmem>> -> memref<1x128xi32, #tpu.memory_space<vmem>>
    %dma_wait3A_49 = tpu.memref_squeeze %dma_wait3A_48 : memref<1x128xi32, #tpu.memory_space<vmem>> -> memref<128xi32, #tpu.memory_space<vmem>>
    %dma_wait3A_50 = arith.constant 0 : i32
    %dma_wait3A_51 = arith.constant 0 : i32
    %dma_wait3A_52 = tpu.memref_slice %arg2[%dma_wait3A_50, %dma_wait3A_51] : memref<20000x64xf32, #tpu.memory_space<hbm>> -> memref<20000x64xf32, #tpu.memory_space<hbm>>
    tpu.wait_indirect_dma semaphore(%arg12 : memref<!tpu.dma_semaphore, #tpu.memory_space<semaphore_mem>>) src(%dma_wait3A_52 : memref<20000x64xf32, #tpu.memory_space<hbm>>) dst(%arg9 : memref<128x64xf32, #tpu.memory_space<vmem>>)
    %run_scoped3A_53 = arith.constant 160 : i32
    "tpu.region"() ({
      %run_scoped3A_63 = tpu.sem_alloc : memref<!tpu.dma_semaphore, #tpu.memory_space<semaphore_mem>>
      %dma_start3A_64 = arith.constant 0 : i32
      %dma_start3A_65 = tpu.memref_slice %arg7[%run_scoped3A_53, %dma_start3A_64] : memref<162x128xi32, #tpu.memory_space<vmem>> -> memref<1x128xi32, #tpu.memory_space<vmem>>
      %dma_start3A_66 = tpu.memref_squeeze %dma_start3A_65 : memref<1x128xi32, #tpu.memory_space<vmem>> -> memref<128xi32, #tpu.memory_space<vmem>>
      %dma_start3A_67 = arith.constant 0 : i32
      %dma_start3A_68 = arith.constant 0 : i32
      %dma_start3A_69 = tpu.memref_slice %arg14[%dma_start3A_67, %dma_start3A_68] : memref<10240x64xf32, #tpu.memory_space<vmem_shared>> -> memref<10240x64xf32, #tpu.memory_space<vmem_shared>>
      tpu.enqueue_indirect_dma source(%arg9 : memref<128x64xf32, #tpu.memory_space<vmem>>) target(%dma_start3A_69 : memref<10240x64xf32, #tpu.memory_space<vmem_shared>>) offsets(%dma_start3A_66 : memref<128xi32, #tpu.memory_space<vmem>>) semaphore(%run_scoped3A_63 : memref<!tpu.dma_semaphore, #tpu.memory_space<semaphore_mem>>) {add = true}
      %dma_wait3A_70 = arith.constant 0 : i32
      %dma_wait3A_71 = tpu.memref_slice %arg7[%run_scoped3A_53, %dma_wait3A_70] : memref<162x128xi32, #tpu.memory_space<vmem>> -> memref<1x128xi32, #tpu.memory_space<vmem>>
      %dma_wait3A_72 = tpu.memref_squeeze %dma_wait3A_71 : memref<1x128xi32, #tpu.memory_space<vmem>> -> memref<128xi32, #tpu.memory_space<vmem>>
      %dma_wait3A_73 = arith.constant 0 : i32
      %dma_wait3A_74 = arith.constant 0 : i32
      %dma_wait3A_75 = tpu.memref_slice %arg14[%dma_wait3A_73, %dma_wait3A_74] : memref<10240x64xf32, #tpu.memory_space<vmem_shared>> -> memref<10240x64xf32, #tpu.memory_space<vmem_shared>>
      tpu.wait_indirect_dma semaphore(%run_scoped3A_63 : memref<!tpu.dma_semaphore, #tpu.memory_space<semaphore_mem>>) src(%arg9 : memref<128x64xf32, #tpu.memory_space<vmem>>) dst(%dma_wait3A_75 : memref<10240x64xf32, #tpu.memory_space<vmem_shared>>)
      tpu.yield
    }) : () -> ()
    %dma_wait3A_54 = arith.constant 161 : i32
    %dma_wait3A_55 = arith.constant 0 : i32
    %dma_wait3A_56 = tpu.memref_slice %arg6[%dma_wait3A_54, %dma_wait3A_55] : memref<162x128xi32, #tpu.memory_space<vmem>> -> memref<1x128xi32, #tpu.memory_space<vmem>>
    %dma_wait3A_57 = tpu.memref_squeeze %dma_wait3A_56 : memref<1x128xi32, #tpu.memory_space<vmem>> -> memref<128xi32, #tpu.memory_space<vmem>>
    %dma_wait3A_58 = arith.constant 0 : i32
    %dma_wait3A_59 = arith.constant 0 : i32
    %dma_wait3A_60 = tpu.memref_slice %arg2[%dma_wait3A_58, %dma_wait3A_59] : memref<20000x64xf32, #tpu.memory_space<hbm>> -> memref<20000x64xf32, #tpu.memory_space<hbm>>
    tpu.wait_indirect_dma semaphore(%arg13 : memref<!tpu.dma_semaphore, #tpu.memory_space<semaphore_mem>>) src(%dma_wait3A_60 : memref<20000x64xf32, #tpu.memory_space<hbm>>) dst(%arg10 : memref<128x64xf32, #tpu.memory_space<vmem>>)
    %run_scoped3A_61 = arith.constant 161 : i32
    "tpu.region"() ({
      %run_scoped3A_63 = tpu.sem_alloc : memref<!tpu.dma_semaphore, #tpu.memory_space<semaphore_mem>>
      %dma_start3A_64 = arith.constant 0 : i32
      %dma_start3A_65 = tpu.memref_slice %arg7[%run_scoped3A_61, %dma_start3A_64] : memref<162x128xi32, #tpu.memory_space<vmem>> -> memref<1x128xi32, #tpu.memory_space<vmem>>
      %dma_start3A_66 = tpu.memref_squeeze %dma_start3A_65 : memref<1x128xi32, #tpu.memory_space<vmem>> -> memref<128xi32, #tpu.memory_space<vmem>>
      %dma_start3A_67 = arith.constant 0 : i32
      %dma_start3A_68 = arith.constant 0 : i32
      %dma_start3A_69 = tpu.memref_slice %arg14[%dma_start3A_67, %dma_start3A_68] : memref<10240x64xf32, #tpu.memory_space<vmem_shared>> -> memref<10240x64xf32, #tpu.memory_space<vmem_shared>>
      tpu.enqueue_indirect_dma source(%arg10 : memref<128x64xf32, #tpu.memory_space<vmem>>) target(%dma_start3A_69 : memref<10240x64xf32, #tpu.memory_space<vmem_shared>>) offsets(%dma_start3A_66 : memref<128xi32, #tpu.memory_space<vmem>>) semaphore(%run_scoped3A_63 : memref<!tpu.dma_semaphore, #tpu.memory_space<semaphore_mem>>) {add = true}
      %dma_wait3A_70 = arith.constant 0 : i32
      %dma_wait3A_71 = tpu.memref_slice %arg7[%run_scoped3A_61, %dma_wait3A_70] : memref<162x128xi32, #tpu.memory_space<vmem>> -> memref<1x128xi32, #tpu.memory_space<vmem>>
      %dma_wait3A_72 = tpu.memref_squeeze %dma_wait3A_71 : memref<1x128xi32, #tpu.memory_space<vmem>> -> memref<128xi32, #tpu.memory_space<vmem>>
      %dma_wait3A_73 = arith.constant 0 : i32
      %dma_wait3A_74 = arith.constant 0 : i32
      %dma_wait3A_75 = tpu.memref_slice %arg14[%dma_wait3A_73, %dma_wait3A_74] : memref<10240x64xf32, #tpu.memory_space<vmem_shared>> -> memref<10240x64xf32, #tpu.memory_space<vmem_shared>>
      tpu.wait_indirect_dma semaphore(%run_scoped3A_63 : memref<!tpu.dma_semaphore, #tpu.memory_space<semaphore_mem>>) src(%arg10 : memref<128x64xf32, #tpu.memory_space<vmem>>) dst(%dma_wait3A_75 : memref<10240x64xf32, #tpu.memory_space<vmem_shared>>)
      tpu.yield
    }) : () -> ()
    %barrier3A_62 = arith.constant 0 : index
    tpu.barrier barrier_id(%barrier3A_62)
    "tpu.region"() ({
      %run_scoped3A_63 = tpu.sem_alloc : memref<!tpu.dma_semaphore, #tpu.memory_space<semaphore_mem>>
      %dma_start3A_64 = arith.constant 0 : i32
      %dma_start3A_65 = tpu.memref_slice %arg5[%arg0, %mul3A_5, %dma_start3A_64] : memref<2x10240x64xf32, #tpu.memory_space<hbm>> -> memref<1x640x64xf32, #tpu.memory_space<hbm>>
      %dma_start3A_66 = tpu.memref_squeeze %dma_start3A_65 : memref<1x640x64xf32, #tpu.memory_space<hbm>> -> memref<640x64xf32, #tpu.memory_space<hbm>>
      %dma_start3A_67 = arith.constant 0 : i32
      %dma_start3A_68 = tpu.memref_slice %arg14[%mul3A_5, %dma_start3A_67] : memref<10240x64xf32, #tpu.memory_space<vmem_shared>> -> memref<640x64xf32, #tpu.memory_space<vmem_shared>>
      tpu.enqueue_dma source(%dma_start3A_68 : memref<640x64xf32, #tpu.memory_space<vmem_shared>>) target(%dma_start3A_66 : memref<640x64xf32, #tpu.memory_space<hbm>>) target_semaphore(%run_scoped3A_63 : memref<!tpu.dma_semaphore, #tpu.memory_space<semaphore_mem>>)
      %dma_wait3A_69 = arith.constant 0 : i32
      %dma_wait3A_70 = tpu.memref_slice %arg5[%arg0, %mul3A_5, %dma_wait3A_69] : memref<2x10240x64xf32, #tpu.memory_space<hbm>> -> memref<1x640x64xf32, #tpu.memory_space<hbm>>
      %dma_wait3A_71 = tpu.memref_squeeze %dma_wait3A_70 : memref<1x640x64xf32, #tpu.memory_space<hbm>> -> memref<640x64xf32, #tpu.memory_space<hbm>>
      %dma_wait3A_72 = arith.constant 0 : i32
      %dma_wait3A_73 = tpu.memref_slice %arg14[%mul3A_5, %dma_wait3A_72] : memref<10240x64xf32, #tpu.memory_space<vmem_shared>> -> memref<640x64xf32, #tpu.memory_space<vmem_shared>>
      tpu.wait_dma2 semaphore(%run_scoped3A_63 : memref<!tpu.dma_semaphore, #tpu.memory_space<semaphore_mem>>) src(%dma_wait3A_73 : memref<640x64xf32, #tpu.memory_space<vmem_shared>>) dst(%dma_wait3A_71 : memref<640x64xf32, #tpu.memory_space<hbm>>)
      tpu.yield
    }) : () -> ()
    return
  }
}

module attributes {stable_mosaic.version = 14 : i64} {
  func.func @_tc_h2_body(%arg0: memref<10000x128xf32, #tpu.memory_space<vmem>>, %arg1: memref<128x128xf32, #tpu.memory_space<vmem>>, %arg2: memref<2x10000x1xf32, #tpu.memory_space<vmem>>, %arg3: memref<10000x128xf32, #tpu.memory_space<vmem>>) attributes {dimension_semantics = [], scalar_prefetch = 0 : i64, scratch_operands = 0 : i64, tpu.core_type = #tpu.core_type<tc>} {
    %get3A = arith.constant 0 : index
    %get3A_0 = arith.constant 0 : index
    %get3A_1 = arith.constant 0 : index
    %get3A_2 = vector.load %arg2[%get3A, %get3A_0, %get3A_1] : memref<2x10000x1xf32, #tpu.memory_space<vmem>>, vector<1x10000x1xf32>
    %get3A_3 = vector.shape_cast %get3A_2 : vector<1x10000x1xf32> to vector<10000x1xf32>
    %get3A_4 = arith.constant 1 : index
    %get3A_5 = arith.constant 0 : index
    %get3A_6 = arith.constant 0 : index
    %get3A_7 = vector.load %arg2[%get3A_4, %get3A_5, %get3A_6] : memref<2x10000x1xf32, #tpu.memory_space<vmem>>, vector<1x10000x1xf32>
    %get3A_8 = vector.shape_cast %get3A_7 : vector<1x10000x1xf32> to vector<10000x1xf32>
    %add3A = arith.addf %get3A_3, %get3A_8 : vector<10000x1xf32>
    %add3A_9 = arith.constant 1.000000e+00 : f32
    %add3A_10 = vector.broadcast %add3A_9 : f32 to vector<10000x1xf32>
    %add3A_11 = arith.addf %add3A, %add3A_10 : vector<10000x1xf32>
    %rsqrt3A = math.rsqrt %add3A_11 : vector<10000x1xf32>
    %get3A_12 = arith.constant 0 : index
    %get3A_13 = arith.constant 0 : index
    %get3A_14 = vector.load %arg0[%get3A_12, %get3A_13] : memref<10000x128xf32, #tpu.memory_space<vmem>>, vector<10000x128xf32>
    %get3A_15 = arith.constant 0 : index
    %get3A_16 = arith.constant 0 : index
    %get3A_17 = vector.load %arg1[%get3A_15, %get3A_16] : memref<128x128xf32, #tpu.memory_space<vmem>>, vector<128x128xf32>
    %dot_general3A = arith.constant dense<0.000000e+00> : vector<10000x128xf32>
    %dot_general3A_18 = tpu.matmul %get3A_14, %get3A_17, %dot_general3A {dimension_numbers = #tpu.dot_dimension_numbers<[1], [0], [0], [1], [0, 0, 1, 1], [], []>, transpose_lhs_hint = false} : vector<10000x128xf32>, vector<128x128xf32>, vector<10000x128xf32> -> vector<10000x128xf32>
    %mul3A = vector.broadcast %rsqrt3A : vector<10000x1xf32> to vector<10000x128xf32>
    %mul3A_19 = arith.mulf %dot_general3A_18, %mul3A : vector<10000x128xf32>
    %swap3A = arith.constant 0 : index
    %swap3A_20 = arith.constant 0 : index
    %swap3A_21 = vector.load %arg3[%swap3A, %swap3A_20] : memref<10000x128xf32, #tpu.memory_space<vmem>>, vector<10000x128xf32>
    tpu.vector_store %arg3[%swap3A, %swap3A_20], %mul3A_19 {strides = array<i32>} : memref<10000x128xf32, #tpu.memory_space<vmem>>, vector<10000x128xf32>,
    return
  }
}

module attributes {stable_mosaic.version = 14 : i64} {
  func.func @_tc_fin_body(%arg0: memref<2x10240x64xf32, #tpu.memory_space<vmem>>, %arg1: memref<10000x128xf32, #tpu.memory_space<vmem>>, %arg2: memref<2x10000x1xf32, #tpu.memory_space<vmem>>, %arg3: memref<128xf32, #tpu.memory_space<vmem>>, %arg4: memref<10000x128xf32, #tpu.memory_space<vmem>>) attributes {dimension_semantics = [], scalar_prefetch = 0 : i64, scratch_operands = 0 : i64, tpu.core_type = #tpu.core_type<tc>} {
    %get3A = arith.constant 0 : index
    %get3A_0 = arith.constant 0 : index
    %get3A_1 = arith.constant 0 : index
    %get3A_2 = vector.load %arg2[%get3A, %get3A_0, %get3A_1] : memref<2x10000x1xf32, #tpu.memory_space<vmem>>, vector<1x10000x1xf32>
    %get3A_3 = vector.shape_cast %get3A_2 : vector<1x10000x1xf32> to vector<10000x1xf32>
    %get3A_4 = arith.constant 1 : index
    %get3A_5 = arith.constant 0 : index
    %get3A_6 = arith.constant 0 : index
    %get3A_7 = vector.load %arg2[%get3A_4, %get3A_5, %get3A_6] : memref<2x10000x1xf32, #tpu.memory_space<vmem>>, vector<1x10000x1xf32>
    %get3A_8 = vector.shape_cast %get3A_7 : vector<1x10000x1xf32> to vector<10000x1xf32>
    %add3A = arith.addf %get3A_3, %get3A_8 : vector<10000x1xf32>
    %add3A_9 = arith.constant 1.000000e+00 : f32
    %add3A_10 = vector.broadcast %add3A_9 : f32 to vector<10000x1xf32>
    %add3A_11 = arith.addf %add3A, %add3A_10 : vector<10000x1xf32>
    %rsqrt3A = math.rsqrt %add3A_11 : vector<10000x1xf32>
    %get3A_12 = arith.constant 0 : index
    %get3A_13 = arith.constant 0 : index
    %get3A_14 = arith.constant 0 : index
    %get3A_15 = vector.load %arg0[%get3A_12, %get3A_13, %get3A_14] : memref<2x10240x64xf32, #tpu.memory_space<vmem>>, vector<1x10000x64xf32>
    %get3A_16 = vector.shape_cast %get3A_15 : vector<1x10000x64xf32> to vector<10000x64xf32>
    %get3A_17 = arith.constant 1 : index
    %get3A_18 = arith.constant 0 : index
    %get3A_19 = arith.constant 0 : index
    %get3A_20 = vector.load %arg0[%get3A_17, %get3A_18, %get3A_19] : memref<2x10240x64xf32, #tpu.memory_space<vmem>>, vector<1x10000x64xf32>
    %get3A_21 = vector.shape_cast %get3A_20 : vector<1x10000x64xf32> to vector<10000x64xf32>
    %concatenate3A = tpu.concatenate %get3A_16, %get3A_21 in 1 : vector<10000x64xf32>, vector<10000x64xf32> -> vector<10000x128xf32>
    %get3A_22 = arith.constant 0 : index
    %get3A_23 = arith.constant 0 : index
    %get3A_24 = vector.load %arg1[%get3A_22, %get3A_23] : memref<10000x128xf32, #tpu.memory_space<vmem>>, vector<10000x128xf32>
    %add3A_25 = arith.addf %concatenate3A, %get3A_24 : vector<10000x128xf32>
    %mul3A = vector.broadcast %rsqrt3A : vector<10000x1xf32> to vector<10000x128xf32>
    %mul3A_26 = arith.mulf %add3A_25, %mul3A : vector<10000x128xf32>
    %get3A_27 = arith.constant 0 : index
    %get3A_28 = vector.load %arg3[%get3A_27] : memref<128xf32, #tpu.memory_space<vmem>>, vector<128xf32>
    %broadcast_in_dim3A = vector.shape_cast %get3A_28 : vector<128xf32> to vector<1x128xf32>
    %add3A_29 = vector.broadcast %broadcast_in_dim3A : vector<1x128xf32> to vector<10000x128xf32>
    %add3A_30 = arith.addf %mul3A_26, %add3A_29 : vector<10000x128xf32>
    %max3A = arith.constant 0.000000e+00 : f32
    %max3A_31 = vector.broadcast %max3A : f32 to vector<10000x128xf32>
    %max3A_32 = arith.maximumf %add3A_30, %max3A_31 : vector<10000x128xf32>
    %swap3A = arith.constant 0 : index
    %swap3A_33 = arith.constant 0 : index
    %swap3A_34 = vector.load %arg4[%swap3A, %swap3A_33] : memref<10000x128xf32, #tpu.memory_space<vmem>>, vector<10000x128xf32>
    tpu.vector_store %arg4[%swap3A, %swap3A_33], %max3A_32 {strides = array<i32>} : memref<10000x128xf32, #tpu.memory_space<vmem>>, vector<10000x128xf32>,
    return
  }
}

</mosaic_0001>

<sc_bundles>
// kernel: kernel.6.cloned.1.call-start
scs
__scs_entry_jumppad:
0x0: {  	(pc) =	sbr.rel $0x88, $3  }
0x1: {  	(tag) =	ssettag $0x0;
	lr =	simm.s32 $0x1  }
0x2: {  	[smem:$0x3F9D] =	sst lr;
	_ =	strace $0xD0000000  }
0x3: {  	_ = 	snop  }
0x4: {  	_ = 	snop  }
0x5: {  	_ = 	snop  }
0x6: {  	_ = 	snop  }
0x7: {  	_ = 	snop  }
__scs_overlays_trampoline_lowered:
0x8: {  	[smem:$0x3FAC] =	sst s0  }
0x9: {  	[smem:$0x3FAD] =	sst s1  }
0xa: {  	[smem:$0x3FAE] =	sst s2  }
0xb: {  	[smem:$0x3FAF] =	sst s3  }
0xc: {  	[smem:$0x3FB0] =	sst s4  }
0xd: {  	[smem:$0x3FB1] =	sst s5  }
0xe: {  	[smem:$0x3FB2] =	sst s6  }
0xf: {  	[smem:$0x3FB3] =	sst s7  }
0x10: {  	[smem:$0x3FB4] =	sst s8  }
0x11: {  	[smem:$0x3FB5] =	sst s9;
	s0 =	simm.s32 @!p0 $0x0  }
0x12: {  	s1 =	sld [smem:$0x3F9B];
	s0 =	simm.s32 @p0 $0x1  }
0x13: {  	[smem:$0x3FB6] =	sst s0;
	s0 =	simm.s32 @!p1 $0x0  }
0x14: {  	s2 =	sld [smem:$0x3F9A];
	s0 =	simm.s32 @p1 $0x1  }
0x15: {  	[smem:$0x3FB7] =	sst s0;
	s0 =	simm.s32 @!p2 $0x0  }
0x16: {  	s3 =	sld [smem:$0x3FDB];
	s0 =	simm.s32 @p2 $0x1  }
0x17: {  	s4 =	simm.s32 $0x1BF5;
	[smem:$0x3FB9] =	sst s0  }
0x18: {  	s0 =	sld [smem:$0x3F9C];
	_ =	swait.ge [sflag:s4], $0x0  }
0x19: {  	s7 =	sld [smem:$0x3F9D]  }
0x1a: {  	s8 =	sadd.s32 $0xFFFFE003, lr  }
0x1b: {  	s9 =	sadd.s32 $0xFFFFFEF7, lr;
	s5 =	simm.s32 $0xFFFFFFFF;
	p2 =	slt.u32 s8, $0xFFFFF086  }
0x1c: {  	p1 =	slt.u32 s9, $0xF7A;
	s5 =	simm.s32 @!p2 $0x0  }
0x1d: {  	s5 =	simm.s32 @p1 $0x1;
	p0 =	seq.s32 s7, s2  }
0x1e: {  	s7 =	smul.u32 @!p0 $0xF7A, s2;
	p2 =	seq.s32 @!p0 s5, $0x0  }
0x1f: {  	s9 =	smul.u32 $0xF7A, s1;
	s8 =	simm.s32 @!p0 $0x1BF5;
	p2 =	por !p2, p0  }
0x20: {  	[sflag:s8] =	ssyncset.s32 @!p0 $0xFFFFF086;
	s6 =	sadd.s32 @!p0 s3, s7;
	s7 =	simm.s32 @!p0 $0x108  }
0x21: {  	s3 =	sadd.s32 s3, s9;
	s6 =	sadd.s32 @!p0 $0x88, s6;
	s7 =	simm.s32 @p2 $0x1082  }
0x22: {  	[simem:s7], [sflag:s8] =	dma.local @!p0 [hbm:s6], $0xF7A  }
0x23: {  	s9 =	sor.u32 $0xD0000000, s2;
	s6 =	simm.s32 $0x108;
	_ =	swait.ge @!p0 [sflag:s8], $0x0  }
0x24: {  	s3 =	sadd.s32 $0x88, s3;
	s6 =	simm.s32 @!p1 $0x1082;
	[sflag:s4] =	ssyncset.s32 $0xFFFFF086  }
0x25: {  	[simem:s6], [sflag:s4] =	dma.local [hbm:s3], $0xF7A  }
0x26: {  	[smem:$0x3F9D] =	sst s1;
	(tag) =	ssettag s2;
	_ =	strace s9  }
0x27: {  	s1 =	sld [smem:$0x3FAD]  }
0x28: {  	s2 =	sld [smem:$0x3FAE]  }
0x29: {  	s4 =	sld [smem:$0x3FB0]  }
0x2a: {  	p0 =	seq.s32 s5, $0x0;
	s5 =	sld [smem:$0x3FB1]  }
0x2b: {  	s6 =	sld [smem:$0x3FB2]  }
0x2c: {  	s7 =	sld [smem:$0x3FB3]  }
0x2d: {  	s3 =	simm.s32 $0x108;
	s8 =	sld [smem:$0x3FB4]  }
0x2e: {  	s3 =	simm.s32 @!p0 $0x1082;
	s9 =	sld [smem:$0x3FB5]  }
0x2f: {  	lr =	sadd.s32 s0, s3;
	s0 =	sld [smem:$0x3FAC]  }
0x30: {  	s3 =	sld [smem:$0x3FAF]  }
0x31: {  	[smem:$0x3FB8] =	sst s10  }
0x32: {  	s10 =	sld [smem:$0x3FB6];
	_ =	sdelay $0x3  }
0x33: {  	p0 =	seq.s32 s10, $0x1;
	s10 =	sld [smem:$0x3FB8];
	_ =	sdelay $0x3  }
0x34: {  	[smem:$0x3FB8] =	sst s10  }
0x35: {  	s10 =	sld [smem:$0x3FB7];
	_ =	sdelay $0x3  }
0x36: {  	p1 =	seq.s32 s10, $0x1;
	s10 =	sld [smem:$0x3FB8];
	_ =	sdelay $0x3  }
0x37: {  	[smem:$0x3FB8] =	sst s10  }
0x38: {  	s10 =	sld [smem:$0x3FB9]  }
0x39: {  	_ = 	snop;
	(pc) =	sbr.ind lr, $3  }
0x3a: {  	_ = 	snop  }
0x3b: {  	_ = 	snop  }
0x3c: {  	p2 =	seq.s32 s10, $0x1;
	s10 =	sld [smem:$0x3FB8]  }
0x3d: {  	_ =	shalt  }
0x3e: {  	_ =	shalt  }
0x3f: {  	_ =	shalt  }
0x40: {  	_ =	shalt  }
0x41: {  	_ =	shalt  }
0x42: {  	_ =	shalt  }
0x43: {  	_ =	shalt  }
0x44: {  	_ =	shalt  }
0x45: {  	_ =	shalt  }
0x46: {  	_ =	shalt  }
0x47: {  	_ =	shalt  }
0x48: {  	_ =	shalt  }
0x49: {  	_ =	shalt  }
0x4a: {  	_ =	shalt  }
0x4b: {  	_ =	shalt  }
0x4c: {  	_ =	shalt  }
0x4d: {  	_ =	shalt  }
0x4e: {  	_ =	shalt  }
0x4f: {  	_ =	shalt  }
0x50: {  	_ =	shalt  }
0x51: {  	_ =	shalt  }
0x52: {  	_ =	shalt  }
0x53: {  	_ =	shalt  }
0x54: {  	_ =	shalt  }
0x55: {  	_ =	shalt  }
0x56: {  	_ =	shalt  }
0x57: {  	_ =	shalt  }
0x58: {  	_ =	shalt  }
0x59: {  	_ =	shalt  }
0x5a: {  	_ =	shalt  }
0x5b: {  	_ =	shalt  }
0x5c: {  	_ =	shalt  }
0x5d: {  	_ =	shalt  }
0x5e: {  	_ =	shalt  }
0x5f: {  	_ =	shalt  }
0x60: {  	_ =	shalt  }
0x61: {  	_ =	shalt  }
0x62: {  	_ =	shalt  }
0x63: {  	_ =	shalt  }
0x64: {  	_ =	shalt  }
0x65: {  	_ =	shalt  }
0x66: {  	_ =	shalt  }
0x67: {  	_ =	shalt  }
0x68: {  	_ =	shalt  }
0x69: {  	_ =	shalt  }
0x6a: {  	_ =	shalt  }
0x6b: {  	_ =	shalt  }
0x6c: {  	_ =	shalt  }
0x6d: {  	_ =	shalt  }
0x6e: {  	_ =	shalt  }
0x6f: {  	_ =	shalt  }
0x70: {  	_ =	shalt  }
0x71: {  	_ =	shalt  }
0x72: {  	_ =	shalt  }
0x73: {  	_ =	shalt  }
0x74: {  	_ =	shalt  }
0x75: {  	_ =	shalt  }
0x76: {  	_ =	shalt  }
0x77: {  	_ =	shalt  }
0x78: {  	_ =	shalt  }
0x79: {  	_ =	shalt  }
0x7a: {  	_ =	shalt  }
0x7b: {  	_ =	shalt  }
0x7c: {  	_ =	shalt  }
0x7d: {  	_ =	shalt  }
0x7e: {  	_ =	shalt  }
0x7f: {  	_ =	shalt  }
0x80: {  	_ =	shalt  }
0x81: {  	_ =	shalt  }
0x82: {  	_ =	shalt  }
0x83: {  	_ =	shalt  }
0x84: {  	_ =	shalt  }
0x85: {  	_ =	shalt  }
0x86: {  	_ =	shalt  }
0x87: {  	_ =	shalt  }
.Lfunc_end0:
.L_simem_size_0:
called_computation_lowered:
.L_overlay_start_0:
0x88: {  	s2 =	sld [smem:$0x3FD9]  }
0x89: {  	s3 =	sld [smem:$0x3FFE];
	_ =	sdelay $0x1  }
0x8a: {  	s1 =	srdreg.scid  }
0x8b: {  	s0 =	sand.u32 $0x1, s1  }
0x8c: {  	s17 =	sshll.u32 s0, $0xA;
	s2 =	sadd.s32 s3, s2  }
0x8d: {  	s2 =	sadd.s32 s2, s17  }
0x8e: {  	[smem:$0x3FC4] =	sst s2  }
0x8f: {  	_ = 	snop  }
0x90: {  	s2 =	sld [smem:$0x3FD0];
	(tm) =	ssettm $0x1  }
0x91: {  	s18 =	sld [smem:$0x3FFB];
	_ =	sdelay $0x3  }
0x92: {  	_ =	strace s18  }
0x93: {  	s3 =	sld [smem:$0x3FFC];
	_ =	sdelay $0x3  }
0x94: {  	_ =	strace s3  }
0x95: {  	s3 =	sld [smem:$0x3FFD];
	_ =	sdelay $0x3  }
0x96: {  	_ =	strace s3  }
0x97: {  	_ =	strace $0x8FFFFFFF  }
0x98: {  	s19 =	sld [smem:$0x3FDB];
	_ =	sdelay $0x1  }
0x99: {  	s4 =	simm.s32 $_scs_section_size  }
0x9a: {  	s5 =	simm.s32 $_size__tile_overlayer_lowered;
	s6 =	simm.s32 $_tile_overlayer_lowered  }
0x9b: {  	s22 =	simm.s32 $0x1BFF;
	s21 =	sshll.u32 s6, $0x1;
	s3 =	sadd.s32 s4, s19  }
0x9c: {  	s7 =	simm.s32 $0x0;
	s20 =	sshll.u32 s5, $0x1;
	s5 =	sadd.s32 s21, s3  }
0x9d: {  	[timem:s7], [sflag:s22] =	dma.local [hbm:s5], s20  }
0x9e: {  	_ =	swait.ge [sflag:s22], s20  }
0x9f: {  	s4 =	ssub.s32 $0x0, s20;
	[sflag:s22] =	ssyncset.done $0x0  }
0xa0: {  	[sflag:s22] =	ssyncadd.s32 s4;
	_ =	sdelay $0x1  }
0xa1: {  	s23 =	simm.s32 $0x1B8B  }
0xa2: {  	_ =	swait.ge [sflag:s23], $0x1  }
0xa3: {  	[sflag:s23] =	ssyncset.done $0x0  }
0xa4: {  	s25 =	simm.s32 $0x1B8E;
	s24 =	sld [smem:$0x3FFE];
	[sflag:s23] =	ssyncadd.s32 $0xFFFFFFFF  }
0xa5: {  	s26 =	simm.s32 $execute0_lowered;
	[smem:$0x3FD2] =	sst s25  }
0xa6: {  	s5 =	sshll.u32 s26, $0x1;
	_ =	strace $0x80000046;
	[dreg:$0x1] =	wrdreg $0xFFFFFFFF  }
0xa7: {  	s28 =	simm.s32 $_size_execute0_lowered;
	s3 =	sadd.s32 s3, s5;
	[dreg:$0x0] =	wrdreg $0x0  }
0xa8: {  	s5 =	sshll.u32 s28, $0x1;
	[dreg:$0x2] =	wrdreg s3  }
0xa9: {  	[dreg:$0x3] =	wrdreg s5  }
0xaa: {  	[dreg:$0x4] =	wrdreg $0xC0  }
0xab: {  	_ =	task [dreg:s7], $0x5FFFF  }
0xac: {  	[dreg:$0x1] =	wrdreg $0xFFFFFFFF  }
0xad: {  	[dreg:$0x0] =	wrdreg $0x60  }
0xae: {  	[dreg:$0x2] =	wrdreg s24  }
0xaf: {  	[dreg:$0x3] =	wrdreg s2  }
0xb0: {  	[dreg:$0x4] =	wrdreg $0x48000  }
0xb1: {  	[dreg:$0x5] =	wrdreg $0x9  }
0xb2: {  	_ =	task.clear_ibuf [dreg:s7], $0x6FFFF;
	_ =	strace $0x90000046  }
0xb3: {  	s29 =	simm.s32 $0x9;
	_ =	strace $0x80000048  }
0xb4: {  	_ =	swait.ge [sflag:s29], $0x1  }
0xb5: {  	[sflag:s29] =	ssyncadd.s32 $0xFFFFFFFF  }
0xb6: {  	_ =	strace $0x90000048  }
0xb7: {  	_ =	sfence  }
0xb8: {  	s30 =	sld [smem:$0x0];
	_ =	sdelay $0x2  }
0xb9: {  	s31 =	sshll.u32 s1, $0xD;
	s1 =	sshrl.u32 s1, $0x2  }
0xba: {  	s3 =	sand.u32 $0x4000, s31;
	s1 =	sadd.s32 s1, s30  }
0xbb: {  	s0 =	sor.u32 s3, s0;
	s1 =	sshll.u32 s1, $0x11  }
0xbc: {  	s0 =	sor.u32 s1, s0  }
0xbd: {  	s0 =	sadd.s32 $0x8F2B, s0  }
0xbe: {  	[sflag:s0] =	ssyncadd.remote.s32 $0x1  }
0xbf: {  	_ =	sfence.sel $0xFFFF  }
0xc0: {  	[dreg:$0x0] =	wrdreg $0xFFFFFFFF;
	(pc) =	sbr.abs _section_cstart, $3  }
0xc1: {  	[dreg:$0x1] =	wrdreg $0xFFFFFFFF  }
0xc2: {  	_ =	task.clear_ibuf [dreg:s7], $0x2FFFF;
	_ =	strace $0x9FFFFFFF  }
0xc3: {  	(tm) =	ssettm $0x7FFFFFFF  }
tec
execute0_lowered:
.L_overlay_start_1:
0x0: {  	(tag) =	ssettag $0x1  }
0x1: {  	s4 =	rddreg [dreg:$0x0];
	s1 =	srdreg.scid  }
0x2: {  	s0 =	stileid.u32;
	s10 =	rddreg [dreg:$0x1]  }
0x3: {  	s2 =	rddreg [dreg:$0x2];
	s3 =	simm.s32 $0x0;
	s13 =	simm.s32 $0x3800  }
0x4: {  	s14 =	simm.s32 $0x80;
	s15 =	simm.s32 $0x2800;
	s18 =	simm.s32 $0x0  }
0x5: {  	s5 =	sand.u32 $0x1, s1;
	s1 =	rddreg [dreg:$0x3];
	s7 =	smul.u32 $0x5000, s0  }
0x6: {  	s28 =	sshll.u32 s0, $0x1;
	[smem:$0x7FF] =	sst s3;
	s9 =	smul.u32 $0x14000, s0  }
0x7: {  	s16 =	sshll.u32 s0, $0x6;
	s6 =	sor.u32 s5, s28;
	_ =	strace $0x80000047  }
0x8: {  	s8 =	ssub.s32 $0x2, s5;
	s11 =	smul.u32 $0x50000, s5;
	s16 =	sor.u32 $0x1C01, s16  }
0x9: {  	s6 =	smul.u32 $0x500, s6;
	s29 =	sshrl.u32 s8, $0x1;
	s30 =	sshrl.u32 s9, $0x2  }
0xa: {  	s5 =	sadd.s32 s7, s2;
	s12 =	ssub.s32 s8, s29;
	s9 =	sadd.s32 s30, s2  }
0xb: {  	s31 =	sadd.s32 s7, s11;
	s17 =	sshrl.u32 s5, $0x3;
	s4 =	sadd.s32 s6, s4  }
0xc: {  	s6 =	sadd.s32 $0x1000, s9;
	s7 =	sadd.s32 $0x2000, s9;
	s11 =	sshrl.u32 s31, $0x3  }
0xd: {  	s8 =	sadd.s32 $0x3000, s9;
	s9 =	sadd.s32 $0x4000, s9;
	s4 =	sadd.s32 $0x1000, s4  }
0xe: {  	v0 =	vimm.f32 $1.000000000e+00;
	v1 =	vimm.f32 $0.0e+00;
	s10 =	sadd.s32 s10, s11;
	s11 =	smax.u32 s12, $0x1;
	s12 =	simm.s32 $0x1  }
.LBB2_1:
0xf: {  	[tilespmem:s3], [sflag:$0x1] =	stream.linear.gather [hbm4b:s4+s3], $0x2800, $0x38;
	[tilespmem:$0x9800] =	vst v63  }
0x10: {  	_ =	swait.ge [sflag:s12], $0x2800  }
0x11: {  	[sflag:s12] =	ssyncset.done $0x0  }
0x12: {  	s19 =	simm.s32 $0x40;
	s20 =	simm.s32 $0x0;
	[sflag:s12] =	ssyncadd.s32 $0xFFFFD800  }
.LBB2_2:
0x13: {  	p0 =	sne.s32 s19, $0x3FC0;
	[tilespmem:s20+$0x2800] =	vst v0;
	s21 =	smov.u32 s19;
	s19 =	sadd.s32 $0x40, s19  }
.Ltmp0:
0x14: {  	[tilespmem:s20+$0x3800] =	vst v1;
	(pc) =	sbr.rel @p0 .LBB2_2-.Ltmp0, $2  }
0x15: {  	_ =	sdelay $0x2  }
0x16: {  	s20 =	sshra.s32 s21, $0x2  }
0x17: {  	[tilespmem:s20+$0x2800] =	vst v0  }
0x18: {  	[tilespmem:s20+$0x3800] =	vst v1  }
0x19: {  	[spmem:s5] =	stream.linear.scatter [tilespmem:s13], [sflag:$0x1], $0x1000, $0x38;
	[tilespmem:$0x9800] =	vst v63  }
0x1a: {  	_ =	swait.ge [sflag:s12], $0x1000  }
0x1b: {  	[sflag:s12] =	ssyncset.done $0x0  }
0x1c: {  	[sflag:s12] =	ssyncadd.s32 $0xFFFFF000  }
0x1d: {  	[spmem:s6] =	stream.linear.scatter [tilespmem:s13], [sflag:$0x1], $0x1000, $0x38;
	[tilespmem:$0x9800] =	vst v63  }
0x1e: {  	_ =	swait.ge [sflag:s12], $0x1000  }
0x1f: {  	[sflag:s12] =	ssyncset.done $0x0  }
0x20: {  	[sflag:s12] =	ssyncadd.s32 $0xFFFFF000  }
0x21: {  	[spmem:s7] =	stream.linear.scatter [tilespmem:s13], [sflag:$0x1], $0x1000, $0x38;
	[tilespmem:$0x9800] =	vst v63  }
0x22: {  	_ =	swait.ge [sflag:s12], $0x1000  }
0x23: {  	[sflag:s12] =	ssyncset.done $0x0  }
0x24: {  	[sflag:s12] =	ssyncadd.s32 $0xFFFFF000  }
0x25: {  	[spmem:s8] =	stream.linear.scatter [tilespmem:s13], [sflag:$0x1], $0x1000, $0x38;
	[tilespmem:$0x9800] =	vst v63  }
0x26: {  	_ =	swait.ge [sflag:s12], $0x1000  }
0x27: {  	[sflag:s12] =	ssyncset.done $0x0  }
0x28: {  	[sflag:s12] =	ssyncadd.s32 $0xFFFFF000  }
0x29: {  	[spmem:s9] =	stream.linear.scatter [tilespmem:s13], [sflag:$0x1], $0x1000, $0x38;
	[tilespmem:$0x9800] =	vst v63  }
0x2a: {  	_ =	swait.ge [sflag:s12], $0x1000  }
0x2b: {  	[sflag:s12] =	ssyncset.done $0x0  }
0x2c: {  	[sflag:s12] =	ssyncadd.s32 $0xFFFFF000  }
0x2d: {  	s19 =	simm.s32 $0x0;
	[bflag:$0x0] =	sbarrier.arrive $0xFFFF  }
0x2e: {  	[spmem:s2] =	stream.indirect.scatter.add.f32 [tilespmem:s15], [sflag:$0x1], $0x20, s19, s14, $0xb8;
	[tilespmem:$0x9800] =	vst v63  }
0x2f: {  	_ =	swait.ge [sflag:s12], $0x1000  }
0x30: {  	s19 =	simm.s32 $0x200;
	[sflag:s12] =	ssyncset.done $0x0  }
.LBB2_4:
0x31: {  	s20 =	sshra.s32 s19, $0x2;
	[sflag:s12] =	ssyncadd.s32 $0xFFFFF000;
	p0 =	sne.s32 s19, $0x9E00  }
0x32: {  	[spmem:s2] =	stream.indirect.scatter.add.f32 [tilespmem:s15], [sflag:$0x1], $0x20, s20, s14, $0xb8;
	[tilespmem:$0x9800] =	vst v63  }
.Ltmp1:
0x33: {  	_ = 	snop;
	(pc) =	sbr.rel @p0 .LBB2_4-.Ltmp1, $4  }
0x34: {  	_ = 	snop  }
0x35: {  	s19 =	sadd.s32 $0x200, s19  }
0x36: {  	_ =	swait.ge [sflag:s12], $0x1000  }
0x37: {  	[sflag:s12] =	ssyncset.done $0x0  }
0x38: {  	s18 =	sadd.s32 $0x1, s18  }
0x39: {  	[sflag:s12] =	ssyncadd.s32 $0xFFFFF000;
	p0 =	sne.s32 s18, s11  }
.Ltmp2:
0x3a: {  	[bflag:$0x0] =	sbarrier.arrive $0xFFFF;
	(pc) =	sbr.rel @p0 .LBB2_1-.Ltmp2, $4  }
0x3b: {  	[hbm:s10], [sflag:s16] =	dma.local [spmem:s17], $0xA00  }
0x3c: {  	_ =	swait.ge [sflag:s12], $0xA00  }
0x3d: {  	[sflag:s12] =	ssyncset.done $0x0  }
0x3e: {  	[sflag:s12] =	ssyncadd.s32 $0xFFFFF600  }
0x3f: {  	_ =	sfence.sel $0x180000  }
0x40: {  	[bflag:$0x0] =	sbarrier.arrive $0xFFFF  }
0x41: {  	p0 =	sne.s32 s0, $0x0;
	_ =	strace $0x90000047  }
0x42: {  	s0 =	sadd.s32 @!p0 $0x100000, s1;
	[bflag:$0x2] =	sbarrier.arrive $0xFFFF  }
0x43: {  	[sflag:s0] =	ssyncadd.tile.s32 @!p0 $0x1;
	_ =	shalt  }
.Lfunc_end2:
_tile_overlayer_lowered:
.L_overlay_start_2:
0x44: {  	(tag) =	ssettag $0x2  }
0x45: {  	s0 =	rddreg [dreg:$0x0];
	s2 =	stileid.u32  }
0x46: {  	s1 =	rddreg [dreg:$0x1];
	p0 =	sne.s32 s2, $0x0  }
0x47: {  	s3 =	rddreg [dreg:$0x2];
	[bflag:$0x3] =	sbarrier.arrive $0xFFFF;
	s2 =	simm.s32 @!p0 $0x1C01  }
0x48: {  	[timem:s3], [sflag:s2] =	dma.local @!p0 [hbm:s0], s1  }
0x49: {  	s0 =	simm.s32 @!p0 $0x1  }
0x4a: {  	_ =	swait.ge @!p0 [sflag:s0], s1  }
0x4b: {  	s1 =	ssub.s32 @!p0 $0x0, s1;
	[sflag:s0] =	ssyncset.done @!p0 $0x0  }
0x4c: {  	[sflag:s0] =	ssyncadd.s32 @!p0 s1  }
0x4d: {  	[bflag:$0x3] =	sbarrier.arrive $0xFFFF  }
0x4e: {  	_ =	shalt  }

// kernel: kernel.9.cloned.1.call-start
scs
__scs_entry_jumppad:
0x0: {  	(pc) =	sbr.rel $0x88, $3  }
0x1: {  	(tag) =	ssettag $0x0;
	lr =	simm.s32 $0x1  }
0x2: {  	[smem:$0x3F9D] =	sst lr;
	_ =	strace $0xD0000000  }
0x3: {  	_ = 	snop  }
0x4: {  	_ = 	snop  }
0x5: {  	_ = 	snop  }
0x6: {  	_ = 	snop  }
0x7: {  	_ = 	snop  }
__scs_overlays_trampoline_lowered:
0x8: {  	[smem:$0x3FAC] =	sst s0  }
0x9: {  	[smem:$0x3FAD] =	sst s1  }
0xa: {  	[smem:$0x3FAE] =	sst s2  }
0xb: {  	[smem:$0x3FAF] =	sst s3  }
0xc: {  	[smem:$0x3FB0] =	sst s4  }
0xd: {  	[smem:$0x3FB1] =	sst s5  }
0xe: {  	[smem:$0x3FB2] =	sst s6  }
0xf: {  	[smem:$0x3FB3] =	sst s7  }
0x10: {  	[smem:$0x3FB4] =	sst s8  }
0x11: {  	[smem:$0x3FB5] =	sst s9;
	s0 =	simm.s32 @!p0 $0x0  }
0x12: {  	s1 =	sld [smem:$0x3F9B];
	s0 =	simm.s32 @p0 $0x1  }
0x13: {  	[smem:$0x3FB6] =	sst s0;
	s0 =	simm.s32 @!p1 $0x0  }
0x14: {  	s2 =	sld [smem:$0x3F9A];
	s0 =	simm.s32 @p1 $0x1  }
0x15: {  	[smem:$0x3FB7] =	sst s0;
	s0 =	simm.s32 @!p2 $0x0  }
0x16: {  	s3 =	sld [smem:$0x3FDB];
	s0 =	simm.s32 @p2 $0x1  }
0x17: {  	s4 =	simm.s32 $0x1BF5;
	[smem:$0x3FB9] =	sst s0  }
0x18: {  	s0 =	sld [smem:$0x3F9C];
	_ =	swait.ge [sflag:s4], $0x0  }
0x19: {  	s7 =	sld [smem:$0x3F9D]  }
0x1a: {  	s8 =	sadd.s32 $0xFFFFE003, lr  }
0x1b: {  	s9 =	sadd.s32 $0xFFFFFEF7, lr;
	s5 =	simm.s32 $0xFFFFFFFF;
	p2 =	slt.u32 s8, $0xFFFFF086  }
0x1c: {  	p1 =	slt.u32 s9, $0xF7A;
	s5 =	simm.s32 @!p2 $0x0  }
0x1d: {  	s5 =	simm.s32 @p1 $0x1;
	p0 =	seq.s32 s7, s2  }
0x1e: {  	s7 =	smul.u32 @!p0 $0xF7A, s2;
	p2 =	seq.s32 @!p0 s5, $0x0  }
0x1f: {  	s9 =	smul.u32 $0xF7A, s1;
	s8 =	simm.s32 @!p0 $0x1BF5;
	p2 =	por !p2, p0  }
0x20: {  	[sflag:s8] =	ssyncset.s32 @!p0 $0xFFFFF086;
	s6 =	sadd.s32 @!p0 s3, s7;
	s7 =	simm.s32 @!p0 $0x108  }
0x21: {  	s3 =	sadd.s32 s3, s9;
	s6 =	sadd.s32 @!p0 $0x88, s6;
	s7 =	simm.s32 @p2 $0x1082  }
0x22: {  	[simem:s7], [sflag:s8] =	dma.local @!p0 [hbm:s6], $0xF7A  }
0x23: {  	s9 =	sor.u32 $0xD0000000, s2;
	s6 =	simm.s32 $0x108;
	_ =	swait.ge @!p0 [sflag:s8], $0x0  }
0x24: {  	s3 =	sadd.s32 $0x88, s3;
	s6 =	simm.s32 @!p1 $0x1082;
	[sflag:s4] =	ssyncset.s32 $0xFFFFF086  }
0x25: {  	[simem:s6], [sflag:s4] =	dma.local [hbm:s3], $0xF7A  }
0x26: {  	[smem:$0x3F9D] =	sst s1;
	(tag) =	ssettag s2;
	_ =	strace s9  }
0x27: {  	s1 =	sld [smem:$0x3FAD]  }
0x28: {  	s2 =	sld [smem:$0x3FAE]  }
0x29: {  	s4 =	sld [smem:$0x3FB0]  }
0x2a: {  	p0 =	seq.s32 s5, $0x0;
	s5 =	sld [smem:$0x3FB1]  }
0x2b: {  	s6 =	sld [smem:$0x3FB2]  }
0x2c: {  	s7 =	sld [smem:$0x3FB3]  }
0x2d: {  	s3 =	simm.s32 $0x108;
	s8 =	sld [smem:$0x3FB4]  }
0x2e: {  	s3 =	simm.s32 @!p0 $0x1082;
	s9 =	sld [smem:$0x3FB5]  }
0x2f: {  	lr =	sadd.s32 s0, s3;
	s0 =	sld [smem:$0x3FAC]  }
0x30: {  	s3 =	sld [smem:$0x3FAF]  }
0x31: {  	[smem:$0x3FB8] =	sst s10  }
0x32: {  	s10 =	sld [smem:$0x3FB6];
	_ =	sdelay $0x3  }
0x33: {  	p0 =	seq.s32 s10, $0x1;
	s10 =	sld [smem:$0x3FB8];
	_ =	sdelay $0x3  }
0x34: {  	[smem:$0x3FB8] =	sst s10  }
0x35: {  	s10 =	sld [smem:$0x3FB7];
	_ =	sdelay $0x3  }
0x36: {  	p1 =	seq.s32 s10, $0x1;
	s10 =	sld [smem:$0x3FB8];
	_ =	sdelay $0x3  }
0x37: {  	[smem:$0x3FB8] =	sst s10  }
0x38: {  	s10 =	sld [smem:$0x3FB9]  }
0x39: {  	_ = 	snop;
	(pc) =	sbr.ind lr, $3  }
0x3a: {  	_ = 	snop  }
0x3b: {  	_ = 	snop  }
0x3c: {  	p2 =	seq.s32 s10, $0x1;
	s10 =	sld [smem:$0x3FB8]  }
0x3d: {  	_ =	shalt  }
0x3e: {  	_ =	shalt  }
0x3f: {  	_ =	shalt  }
0x40: {  	_ =	shalt  }
0x41: {  	_ =	shalt  }
0x42: {  	_ =	shalt  }
0x43: {  	_ =	shalt  }
0x44: {  	_ =	shalt  }
0x45: {  	_ =	shalt  }
0x46: {  	_ =	shalt  }
0x47: {  	_ =	shalt  }
0x48: {  	_ =	shalt  }
0x49: {  	_ =	shalt  }
0x4a: {  	_ =	shalt  }
0x4b: {  	_ =	shalt  }
0x4c: {  	_ =	shalt  }
0x4d: {  	_ =	shalt  }
0x4e: {  	_ =	shalt  }
0x4f: {  	_ =	shalt  }
0x50: {  	_ =	shalt  }
0x51: {  	_ =	shalt  }
0x52: {  	_ =	shalt  }
0x53: {  	_ =	shalt  }
0x54: {  	_ =	shalt  }
0x55: {  	_ =	shalt  }
0x56: {  	_ =	shalt  }
0x57: {  	_ =	shalt  }
0x58: {  	_ =	shalt  }
0x59: {  	_ =	shalt  }
0x5a: {  	_ =	shalt  }
0x5b: {  	_ =	shalt  }
0x5c: {  	_ =	shalt  }
0x5d: {  	_ =	shalt  }
0x5e: {  	_ =	shalt  }
0x5f: {  	_ =	shalt  }
0x60: {  	_ =	shalt  }
0x61: {  	_ =	shalt  }
0x62: {  	_ =	shalt  }
0x63: {  	_ =	shalt  }
0x64: {  	_ =	shalt  }
0x65: {  	_ =	shalt  }
0x66: {  	_ =	shalt  }
0x67: {  	_ =	shalt  }
0x68: {  	_ =	shalt  }
0x69: {  	_ =	shalt  }
0x6a: {  	_ =	shalt  }
0x6b: {  	_ =	shalt  }
0x6c: {  	_ =	shalt  }
0x6d: {  	_ =	shalt  }
0x6e: {  	_ =	shalt  }
0x6f: {  	_ =	shalt  }
0x70: {  	_ =	shalt  }
0x71: {  	_ =	shalt  }
0x72: {  	_ =	shalt  }
0x73: {  	_ =	shalt  }
0x74: {  	_ =	shalt  }
0x75: {  	_ =	shalt  }
0x76: {  	_ =	shalt  }
0x77: {  	_ =	shalt  }
0x78: {  	_ =	shalt  }
0x79: {  	_ =	shalt  }
0x7a: {  	_ =	shalt  }
0x7b: {  	_ =	shalt  }
0x7c: {  	_ =	shalt  }
0x7d: {  	_ =	shalt  }
0x7e: {  	_ =	shalt  }
0x7f: {  	_ =	shalt  }
0x80: {  	_ =	shalt  }
0x81: {  	_ =	shalt  }
0x82: {  	_ =	shalt  }
0x83: {  	_ =	shalt  }
0x84: {  	_ =	shalt  }
0x85: {  	_ =	shalt  }
0x86: {  	_ =	shalt  }
0x87: {  	_ =	shalt  }
.Lfunc_end0:
.L_simem_size_0:
called_computation.1_lowered:
.L_overlay_start_0:
0x88: {  	s2 =	sld [smem:$0x3FD9]  }
0x89: {  	s3 =	sld [smem:$0x3FFE];
	_ =	sdelay $0x1  }
0x8a: {  	s1 =	srdreg.scid  }
0x8b: {  	s0 =	sand.u32 $0x1, s1  }
0x8c: {  	s17 =	sshll.u32 s0, $0xA;
	s2 =	sadd.s32 s3, s2  }
0x8d: {  	s2 =	sadd.s32 s2, s17  }
0x8e: {  	[smem:$0x3FC4] =	sst s2  }
0x8f: {  	_ = 	snop  }
0x90: {  	s2 =	sld [smem:$0x3FD0];
	(tm) =	ssettm $0x1  }
0x91: {  	s18 =	sld [smem:$0x3FFB];
	_ =	sdelay $0x3  }
0x92: {  	_ =	strace s18  }
0x93: {  	s3 =	sld [smem:$0x3FFC];
	_ =	sdelay $0x3  }
0x94: {  	_ =	strace s3  }
0x95: {  	s3 =	sld [smem:$0x3FFD];
	_ =	sdelay $0x3  }
0x96: {  	_ =	strace s3  }
0x97: {  	_ =	strace $0x8FFFFFFF  }
0x98: {  	s19 =	sld [smem:$0x3FDB];
	_ =	sdelay $0x1  }
0x99: {  	s4 =	simm.s32 $_scs_section_size  }
0x9a: {  	s5 =	simm.s32 $_size__tile_overlayer_lowered;
	s6 =	simm.s32 $_tile_overlayer_lowered  }
0x9b: {  	s22 =	simm.s32 $0x1BFF;
	s21 =	sshll.u32 s6, $0x1;
	s3 =	sadd.s32 s4, s19  }
0x9c: {  	s7 =	simm.s32 $0x0;
	s20 =	sshll.u32 s5, $0x1;
	s5 =	sadd.s32 s21, s3  }
0x9d: {  	[timem:s7], [sflag:s22] =	dma.local [hbm:s5], s20  }
0x9e: {  	_ =	swait.ge [sflag:s22], s20  }
0x9f: {  	s4 =	ssub.s32 $0x0, s20;
	[sflag:s22] =	ssyncset.done $0x0  }
0xa0: {  	[sflag:s22] =	ssyncadd.s32 s4;
	_ =	sdelay $0x1  }
0xa1: {  	s23 =	simm.s32 $0x1B8B  }
0xa2: {  	_ =	swait.ge [sflag:s23], $0x1  }
0xa3: {  	[sflag:s23] =	ssyncset.done $0x0  }
0xa4: {  	s25 =	simm.s32 $0x1B8E;
	s24 =	sld [smem:$0x3FFE];
	[sflag:s23] =	ssyncadd.s32 $0xFFFFFFFF  }
0xa5: {  	s26 =	simm.s32 $execute0_lowered;
	[smem:$0x3FD2] =	sst s25  }
0xa6: {  	s5 =	sshll.u32 s26, $0x1;
	_ =	strace $0x80000049;
	[dreg:$0x1] =	wrdreg $0xFFFFFFFF  }
0xa7: {  	s28 =	simm.s32 $_size_execute0_lowered;
	s3 =	sadd.s32 s3, s5;
	[dreg:$0x0] =	wrdreg $0x0  }
0xa8: {  	s5 =	sshll.u32 s28, $0x1;
	[dreg:$0x2] =	wrdreg s3  }
0xa9: {  	[dreg:$0x3] =	wrdreg s5  }
0xaa: {  	[dreg:$0x4] =	wrdreg $0xC0  }
0xab: {  	_ =	task [dreg:s7], $0x5FFFF  }
0xac: {  	[dreg:$0x1] =	wrdreg $0xFFFFFFFF  }
0xad: {  	[dreg:$0x0] =	wrdreg $0x60  }
0xae: {  	[dreg:$0x2] =	wrdreg s2  }
0xaf: {  	[dreg:$0x3] =	wrdreg s24  }
0xb0: {  	[dreg:$0x4] =	wrdreg $0x102000  }
0xb1: {  	[dreg:$0x5] =	wrdreg $0x9  }
0xb2: {  	_ =	task.clear_ibuf [dreg:s7], $0x6FFFF;
	_ =	strace $0x90000049  }
0xb3: {  	s29 =	simm.s32 $0x9;
	_ =	strace $0x8000004B  }
0xb4: {  	_ =	swait.ge [sflag:s29], $0x1  }
0xb5: {  	[sflag:s29] =	ssyncadd.s32 $0xFFFFFFFF  }
0xb6: {  	_ =	strace $0x9000004B  }
0xb7: {  	_ =	sfence  }
0xb8: {  	s30 =	sld [smem:$0x0];
	_ =	sdelay $0x2  }
0xb9: {  	s31 =	sshll.u32 s1, $0xD;
	s1 =	sshrl.u32 s1, $0x2  }
0xba: {  	s3 =	sand.u32 $0x4000, s31;
	s1 =	sadd.s32 s1, s30  }
0xbb: {  	s0 =	sor.u32 s3, s0;
	s1 =	sshll.u32 s1, $0x11  }
0xbc: {  	s0 =	sor.u32 s1, s0  }
0xbd: {  	s0 =	sadd.s32 $0x8F2B, s0  }
0xbe: {  	[sflag:s0] =	ssyncadd.remote.s32 $0x1  }
0xbf: {  	_ =	sfence.sel $0xFFFF  }
0xc0: {  	[dreg:$0x0] =	wrdreg $0xFFFFFFFF;
	(pc) =	sbr.abs _section_cstart, $3  }
0xc1: {  	[dreg:$0x1] =	wrdreg $0xFFFFFFFF  }
0xc2: {  	_ =	task.clear_ibuf [dreg:s7], $0x2FFFF;
	_ =	strace $0x9FFFFFFF  }
0xc3: {  	(tm) =	ssettm $0x7FFFFFFF  }
tec
execute0_lowered:
.L_overlay_start_1:
0x0: {  	(tag) =	ssettag $0x1  }
0x1: {  	s1 =	rddreg [dreg:$0x0]  }
0x2: {  	s2 =	srdreg.scid;
	s5 =	rddreg [dreg:$0x1]  }
0x3: {  	s0 =	stileid.u32;
	s3 =	rddreg [dreg:$0x2]  }
0x4: {  	s4 =	simm.s32 $0x0;
	s15 =	simm.s32 $0x5100;
	s16 =	simm.s32 $0xA200  }
0x5: {  	s17 =	simm.s32 $0x80;
	s18 =	simm.s32 $0xC200;
	s19 =	simm.s32 $0x1  }
0x6: {  	s20 =	simm.s32 $0xE200;
	s21 =	simm.s32 $0x2;
	s22 =	simm.s32 $0x3  }
0x7: {  	s23 =	simm.s32 $0x5080;
	s24 =	simm.s32 $0xA080;
	s7 =	smul.u32 $0x5100, s0  }
0x8: {  	s25 =	simm.s32 $0xA100;
	s6 =	sand.u32 $0x1, s2;
	s11 =	smul.u32 $0x28000, s0  }
0x9: {  	s26 =	simm.s32 $0xA180;
	s28 =	simm.s32 $0x0;
	s8 =	smul.u32 $0x51000, s6  }
0xa: {  	[smem:$0x7FF] =	sst s4;
	s10 =	smul.u32 $0xA0000, s6;
	s6 =	ssub.s32 $0x2, s6  }
0xb: {  	s9 =	smul.u32 $0xA000, s0;
	_ =	strace $0x8000004A;
	s12 =	sshrl.u32 s6, $0x1  }
0xc: {  	s31 =	sshrl.u32 s11, $0x2;
	s8 =	sadd.s32 s7, s8;
	s7 =	sshrl.u32 s7, $0x3  }
0xd: {  	s10 =	sadd.s32 s9, s10;
	s14 =	ssub.s32 s6, s12;
	s11 =	sadd.s32 s31, s3  }
0xe: {  	s8 =	sshrl.u32 s8, $0x3;
	s7 =	sadd.s32 s7, s5;
	s10 =	sshrl.u32 s10, $0x3  }
0xf: {  	s8 =	sadd.s32 s8, s5;
	s13 =	sadd.s32 s10, s5;
	s6 =	sadd.s32 $0x1F400, s7  }
0x10: {  	s7 =	sadd.s32 s9, s3;
	s9 =	sadd.s32 $0x4000, s11;
	s10 =	sadd.s32 $0x6000, s11  }
0x11: {  	s5 =	sadd.s32 $0xB000, s8;
	s8 =	sadd.s32 $0x2000, s11;
	s11 =	sadd.s32 $0x8000, s11  }
0x12: {  	v0 =	vimm.f32 $0.0e+00;
	s12 =	sadd.s32 $0x29600, s13;
	s13 =	smax.u32 s14, $0x1;
	s14 =	simm.s32 $0x4  }
.LBB2_1:
0x13: {  	[tilespmem:s4], [sflag:$0x4] =	stream.linear.gather [hbm4b:s5+s4], $0x5100, $0x38;
	[tilespmem:$0x1A200] =	vst v63  }
0x14: {  	_ =	swait.ge [sflag:s14], $0x5100  }
0x15: {  	[sflag:s14] =	ssyncset.done $0x0  }
0x16: {  	[sflag:s14] =	ssyncadd.s32 $0xFFFFAF00  }
0x17: {  	[tilespmem:s15], [sflag:$0x4] =	stream.linear.gather [hbm4b:s6+s4], $0x5100, $0x38;
	[tilespmem:$0x1A200] =	vst v63  }
0x18: {  	s29 =	sand.u32 $0x7F00, s4;
	s30 =	sand.u32 $0x30, s4;
	_ =	swait.ge [sflag:s14], $0x5100  }
0x19: {  	s31 =	sshrl.u32 s29, $0x2;
	s29 =	simm.s32 $0x40;
	[sflag:s14] =	ssyncset.done $0x0  }
0x1a: {  	s31 =	sor.u32 s30, s31;
	s30 =	simm.s32 $0x0;
	[sflag:s14] =	ssyncadd.s32 $0xFFFFAF00  }
.LBB2_2:
0x1b: {  	p0 =	sne.s32 s29, $0x7FC0  }
0x1c: {  	[tilespmem:s31+$0xA200] =	vst v0;
	s30 =	sadd.s32 $0x10, s30;
	s31 =	smov.u32 s29;
	s29 =	sadd.s32 $0x40, s29  }
.Ltmp0:
0x1d: {  	(pc) =	sbr.rel @p0 .LBB2_2-.Ltmp0, $4  }
0x1e: {  	_ = 	snop  }
0x1f: {  	s31 =	sand.u32 $0x7F00, s31  }
0x20: {  	s2 =	sand.u32 $0x30, s30;
	s31 =	sshrl.u32 s31, $0x2  }
0x21: {  	s31 =	sor.u32 s2, s31  }
0x22: {  	[tilespmem:s31+$0xA200] =	vst v0  }
0x23: {  	[spmem:s7] =	stream.linear.scatter [tilespmem:s16], [sflag:$0x4], $0x2000, $0x38;
	[tilespmem:$0x1A200] =	vst v63  }
0x24: {  	_ =	swait.ge [sflag:s14], $0x2000  }
0x25: {  	[sflag:s14] =	ssyncset.done $0x0  }
0x26: {  	[sflag:s14] =	ssyncadd.s32 $0xFFFFE000  }
0x27: {  	[spmem:s8] =	stream.linear.scatter [tilespmem:s16], [sflag:$0x4], $0x2000, $0x38;
	[tilespmem:$0x1A200] =	vst v63  }
0x28: {  	_ =	swait.ge [sflag:s14], $0x2000  }
0x29: {  	[sflag:s14] =	ssyncset.done $0x0  }
0x2a: {  	[sflag:s14] =	ssyncadd.s32 $0xFFFFE000  }
0x2b: {  	[spmem:s9] =	stream.linear.scatter [tilespmem:s16], [sflag:$0x4], $0x2000, $0x38;
	[tilespmem:$0x1A200] =	vst v63  }
0x2c: {  	_ =	swait.ge [sflag:s14], $0x2000  }
0x2d: {  	[sflag:s14] =	ssyncset.done $0x0  }
0x2e: {  	[sflag:s14] =	ssyncadd.s32 $0xFFFFE000  }
0x2f: {  	[spmem:s10] =	stream.linear.scatter [tilespmem:s16], [sflag:$0x4], $0x2000, $0x38;
	[tilespmem:$0x1A200] =	vst v63  }
0x30: {  	_ =	swait.ge [sflag:s14], $0x2000  }
0x31: {  	[sflag:s14] =	ssyncset.done $0x0  }
0x32: {  	[sflag:s14] =	ssyncadd.s32 $0xFFFFE000  }
0x33: {  	[spmem:s11] =	stream.linear.scatter [tilespmem:s16], [sflag:$0x4], $0x2000, $0x38;
	[tilespmem:$0x1A200] =	vst v63  }
0x34: {  	_ =	swait.ge [sflag:s14], $0x2000  }
0x35: {  	[sflag:s14] =	ssyncset.done $0x0  }
0x36: {  	[sflag:s14] =	ssyncadd.s32 $0xFFFFE000  }
0x37: {  	s2 =	simm.s32 $0x0;
	[bflag:$0x0] =	sbarrier.arrive $0xFFFF  }
0x38: {  	[tilespmem:s16], [sflag:$0x1] =	stream.indirect.gather [hbm4b:s1+s17], $0x40, s2, s17, $0xb8;
	[tilespmem:$0x1A200] =	vst v63  }
0x39: {  	_ = 	snop  }
0x3a: {  	[tilespmem:s18], [sflag:$0x2] =	stream.indirect.gather [hbm4b:s1+s17], $0x40, s17, s17, $0xb8;
	[tilespmem:$0x1A200] =	vst v63  }
0x3b: {  	_ =	swait.ge [sflag:s19], $0x2000  }
0x3c: {  	[sflag:s19] =	ssyncset.done $0x0  }
0x3d: {  	s30 =	simm.s32 $0x100;
	[sflag:s19] =	ssyncadd.s32 $0xFFFFE000  }
0x3e: {  	[tilespmem:s20], [sflag:$0x3] =	stream.indirect.gather [hbm4b:s1+s17], $0x40, s30, s17, $0xb8;
	[tilespmem:$0x1A200] =	vst v63  }
0x3f: {  	s31 =	simm.s32 $0x5100  }
0x40: {  	[spmem:s3] =	stream.indirect.scatter.add.f32 [tilespmem:s16], [sflag:$0x4], $0x40, s31, s17, $0xb8;
	[tilespmem:$0x1A200] =	vst v63  }
0x41: {  	_ =	swait.ge [sflag:s14], $0x2000  }
0x42: {  	[sflag:s14] =	ssyncset.done $0x0  }
0x43: {  	[sflag:s14] =	ssyncadd.s32 $0xFFFFE000  }
0x44: {  	_ =	swait.ge [sflag:s21], $0x2000  }
0x45: {  	[sflag:s21] =	ssyncset.done $0x0  }
0x46: {  	s30 =	simm.s32 $0x180;
	[sflag:s21] =	ssyncadd.s32 $0xFFFFE000  }
0x47: {  	[tilespmem:s16], [sflag:$0x1] =	stream.indirect.gather [hbm4b:s1+s17], $0x40, s30, s17, $0xb8;
	[tilespmem:$0x1A200] =	vst v63  }
0x48: {  	s31 =	simm.s32 $0x5180  }
0x49: {  	[spmem:s3] =	stream.indirect.scatter.add.f32 [tilespmem:s18], [sflag:$0x4], $0x40, s31, s17, $0xb8;
	[tilespmem:$0x1A200] =	vst v63  }
0x4a: {  	_ =	swait.ge [sflag:s14], $0x2000  }
0x4b: {  	[sflag:s14] =	ssyncset.done $0x0  }
0x4c: {  	[sflag:s14] =	ssyncadd.s32 $0xFFFFE000  }
0x4d: {  	_ =	swait.ge [sflag:s22], $0x2000  }
0x4e: {  	[sflag:s22] =	ssyncset.done $0x0  }
0x4f: {  	s30 =	simm.s32 $0x200;
	[sflag:s22] =	ssyncadd.s32 $0xFFFFE000  }
0x50: {  	[tilespmem:s18], [sflag:$0x2] =	stream.indirect.gather [hbm4b:s1+s17], $0x40, s30, s17, $0xb8;
	[tilespmem:$0x1A200] =	vst v63  }
0x51: {  	s31 =	simm.s32 $0x5200  }
0x52: {  	[spmem:s3] =	stream.indirect.scatter.add.f32 [tilespmem:s20], [sflag:$0x4], $0x40, s31, s17, $0xb8;
	[tilespmem:$0x1A200] =	vst v63  }
0x53: {  	_ =	swait.ge [sflag:s14], $0x2000  }
0x54: {  	s29 =	simm.s32 $0x600;
	[sflag:s14] =	ssyncset.done $0x0  }
.LBB2_4:
0x55: {  	p0 =	sne.s32 s29, $0x13800  }
0x56: {  	[sflag:s14] =	ssyncadd.s32 $0xFFFFE000;
	s2 =	smov.u32 s29;
	s29 =	sadd.s32 $0x600, s29  }
0x57: {  	_ = 	snop  }
0x58: {  	_ =	swait.ge [sflag:s19], $0x2000  }
0x59: {  	s2 =	sshra.s32 s2, $0x2;
	[sflag:s19] =	ssyncset.done $0x0  }
0x5a: {  	s30 =	sadd.s32 $0x100, s2;
	[sflag:s19] =	ssyncadd.s32 $0xFFFFE000  }
0x5b: {  	[tilespmem:s20], [sflag:$0x3] =	stream.indirect.gather [hbm4b:s1+s17], $0x40, s30, s17, $0xb8;
	[tilespmem:$0x1A200] =	vst v63  }
0x5c: {  	s30 =	sadd.s32 $0x5100, s2  }
0x5d: {  	[spmem:s3] =	stream.indirect.scatter.add.f32 [tilespmem:s16], [sflag:$0x4], $0x40, s30, s17, $0xb8;
	[tilespmem:$0x1A200] =	vst v63  }
0x5e: {  	_ =	swait.ge [sflag:s14], $0x2000  }
0x5f: {  	[sflag:s14] =	ssyncset.done $0x0  }
0x60: {  	[sflag:s14] =	ssyncadd.s32 $0xFFFFE000  }
0x61: {  	_ =	swait.ge [sflag:s21], $0x2000  }
0x62: {  	[sflag:s21] =	ssyncset.done $0x0  }
0x63: {  	s30 =	sadd.s32 $0x180, s2;
	[sflag:s21] =	ssyncadd.s32 $0xFFFFE000  }
0x64: {  	[tilespmem:s16], [sflag:$0x1] =	stream.indirect.gather [hbm4b:s1+s17], $0x40, s30, s17, $0xb8;
	[tilespmem:$0x1A200] =	vst v63  }
0x65: {  	s30 =	sadd.s32 $0x5180, s2  }
0x66: {  	[spmem:s3] =	stream.indirect.scatter.add.f32 [tilespmem:s18], [sflag:$0x4], $0x40, s30, s17, $0xb8;
	[tilespmem:$0x1A200] =	vst v63  }
0x67: {  	_ =	swait.ge [sflag:s14], $0x2000  }
0x68: {  	[sflag:s14] =	ssyncset.done $0x0  }
0x69: {  	[sflag:s14] =	ssyncadd.s32 $0xFFFFE000  }
0x6a: {  	_ =	swait.ge [sflag:s22], $0x2000  }
0x6b: {  	[sflag:s22] =	ssyncset.done $0x0  }
0x6c: {  	s30 =	sadd.s32 $0x200, s2;
	[sflag:s22] =	ssyncadd.s32 $0xFFFFE000  }
0x6d: {  	[tilespmem:s18], [sflag:$0x2] =	stream.indirect.gather [hbm4b:s1+s17], $0x40, s30, s17, $0xb8;
	[tilespmem:$0x1A200] =	vst v63  }
.Ltmp1:
0x6e: {  	_ = 	snop;
	(pc) =	sbr.rel @p0 .LBB2_4-.Ltmp1, $4  }
0x6f: {  	s2 =	sadd.s32 $0x5200, s2  }
0x70: {  	[spmem:s3] =	stream.indirect.scatter.add.f32 [tilespmem:s20], [sflag:$0x4], $0x40, s2, s17, $0xb8;
	[tilespmem:$0x1A200] =	vst v63  }
0x71: {  	_ =	swait.ge [sflag:s14], $0x2000  }
0x72: {  	[sflag:s14] =	ssyncset.done $0x0  }
0x73: {  	[sflag:s14] =	ssyncadd.s32 $0xFFFFE000  }
0x74: {  	[tilespmem:s20], [sflag:$0x3] =	stream.indirect.gather [hbm4b:s1+s17], $0x40, s23, s17, $0xb8;
	[tilespmem:$0x1A200] =	vst v63  }
0x75: {  	_ =	swait.ge [sflag:s19], $0x2000  }
0x76: {  	[sflag:s19] =	ssyncset.done $0x0  }
0x77: {  	[sflag:s19] =	ssyncadd.s32 $0xFFFFE000  }
0x78: {  	[spmem:s3] =	stream.indirect.scatter.add.f32 [tilespmem:s16], [sflag:$0x4], $0x40, s24, s17, $0xb8;
	[tilespmem:$0x1A200] =	vst v63  }
0x79: {  	_ =	swait.ge [sflag:s14], $0x2000  }
0x7a: {  	[sflag:s14] =	ssyncset.done $0x0  }
0x7b: {  	[sflag:s14] =	ssyncadd.s32 $0xFFFFE000  }
0x7c: {  	_ =	swait.ge [sflag:s21], $0x2000  }
0x7d: {  	[sflag:s21] =	ssyncset.done $0x0  }
0x7e: {  	[sflag:s21] =	ssyncadd.s32 $0xFFFFE000  }
0x7f: {  	[spmem:s3] =	stream.indirect.scatter.add.f32 [tilespmem:s18], [sflag:$0x4], $0x40, s25, s17, $0xb8;
	[tilespmem:$0x1A200] =	vst v63  }
0x80: {  	_ =	swait.ge [sflag:s14], $0x2000  }
0x81: {  	[sflag:s14] =	ssyncset.done $0x0  }
0x82: {  	[sflag:s14] =	ssyncadd.s32 $0xFFFFE000  }
0x83: {  	_ =	swait.ge [sflag:s22], $0x2000  }
0x84: {  	[sflag:s22] =	ssyncset.done $0x0  }
0x85: {  	[sflag:s22] =	ssyncadd.s32 $0xFFFFE000  }
0x86: {  	[spmem:s3] =	stream.indirect.scatter.add.f32 [tilespmem:s20], [sflag:$0x4], $0x40, s26, s17, $0xb8;
	[tilespmem:$0x1A200] =	vst v63  }
0x87: {  	_ =	swait.ge [sflag:s14], $0x2000  }
0x88: {  	s2 =	sshll.u32 s0, $0x6;
	s28 =	sadd.s32 $0x1, s28;
	[sflag:s14] =	ssyncset.done $0x0  }
0x89: {  	s29 =	sshrl.u32 s7, $0x3;
	p0 =	sne.s32 s28, s13;
	[sflag:s14] =	ssyncadd.s32 $0xFFFFE000  }
.Ltmp2:
0x8a: {  	s2 =	sor.u32 $0x1C04, s2;
	[bflag:$0x0] =	sbarrier.arrive $0xFFFF;
	(pc) =	sbr.rel @p0 .LBB2_1-.Ltmp2, $4  }
0x8b: {  	[hbm:s12], [sflag:s2] =	dma.local [spmem:s29], $0x1400  }
0x8c: {  	_ =	swait.ge [sflag:s14], $0x1400  }
0x8d: {  	[sflag:s14] =	ssyncset.done $0x0  }
0x8e: {  	[sflag:s14] =	ssyncadd.s32 $0xFFFFEC00  }
0x8f: {  	_ =	sfence.sel $0x180000  }
0x90: {  	[bflag:$0x0] =	sbarrier.arrive $0xFFFF  }
0x91: {  	_ =	strace $0x9000004A  }
0x92: {  	[bflag:$0x2] =	sbarrier.arrive $0xFFFF  }
0x93: {  	p0 =	sne.s32 s0, $0x0;
	s0 =	rddreg [dreg:$0x3]  }
0x94: {  	s0 =	sadd.s32 @!p0 $0x100000, s0  }
0x95: {  	[sflag:s0] =	ssyncadd.tile.s32 @!p0 $0x1;
	_ =	shalt  }
.Lfunc_end2:
_tile_overlayer_lowered:
.L_overlay_start_2:
0x96: {  	(tag) =	ssettag $0x2  }
0x97: {  	s0 =	rddreg [dreg:$0x0];
	s2 =	stileid.u32  }
0x98: {  	s1 =	rddreg [dreg:$0x1];
	p0 =	sne.s32 s2, $0x0  }
0x99: {  	s3 =	rddreg [dreg:$0x2];
	[bflag:$0x3] =	sbarrier.arrive $0xFFFF;
	s2 =	simm.s32 @!p0 $0x1C04  }
0x9a: {  	[timem:s3], [sflag:s2] =	dma.local @!p0 [hbm:s0], s1  }
0x9b: {  	s0 =	simm.s32 @!p0 $0x4  }
0x9c: {  	_ =	swait.ge @!p0 [sflag:s0], s1  }
0x9d: {  	s1 =	ssub.s32 @!p0 $0x0, s1;
	[sflag:s0] =	ssyncset.done @!p0 $0x0  }
0x9e: {  	[sflag:s0] =	ssyncadd.s32 @!p0 s1  }
0x9f: {  	[bflag:$0x3] =	sbarrier.arrive $0xFFFF  }
0xa0: {  	_ =	shalt  }

</sc_bundles>
